<compile_context>
chip_gen: v7x
topology: tpu7x:2x2x1
jax: 0.10.2.dev20260603
libtpu: 0.0.44.dev20260713+nightly
codegen_flags: <defaults>
</compile_context>

<pallas_src>
import functools
import math

import jax
import jax.numpy as jnp
from jax import lax
from jax.experimental import pallas as pl
from jax.experimental.pallas import tpu as pltpu
from jax.experimental.pallas import tpu_sc as plsc

B, T, D, M, K = 2, 1024, 128, 32768, 8
N = B * T
TT = 512
TM = 4096
NT = N // TT
NM = M // TM
INV_SQRT_D = 1.0 / math.sqrt(D)
NEG_INF = float("-inf")


def _topk_kernel(x_ref, wq_ref, keys_ref, vals_ref, idx_ref, q_scr):
    m = pl.program_id(1)

    @pl.when(m == 0)
    def _init():
        q_scr[...] = jnp.dot(x_ref[...], wq_ref[...].T,
                             preferred_element_type=jnp.float32)
        vals_ref[...] = jnp.full((TT, K), NEG_INF, jnp.float32)
        idx_ref[...] = jnp.zeros((TT, K), jnp.int32)

    sim = jnp.dot(q_scr[...], keys_ref[...].T,
                  preferred_element_type=jnp.float32) * INV_SQRT_D

    iota = lax.broadcasted_iota(jnp.int32, (TT, TM), 1).astype(jnp.float32)
    tvals = []
    tidx = []
    s = sim
    for _ in range(K):
        mx = jnp.max(s, axis=1, keepdims=True)
        pos = jnp.min(jnp.where(s == mx, iota, float(TM)), axis=1,
                      keepdims=True)
        tvals.append(mx)
        tidx.append(pos + (m * TM).astype(jnp.float32))
        s = jnp.where(iota == pos, NEG_INF, s)

    cat_v = jnp.concatenate([vals_ref[...]] + tvals, axis=1)
    cat_i = jnp.concatenate([idx_ref[...].astype(jnp.float32)] + tidx,
                            axis=1)
    iota2 = lax.broadcasted_iota(jnp.int32, (TT, 2 * K), 1).astype(
        jnp.float32)
    nv = []
    ni = []
    for _ in range(K):
        mx = jnp.max(cat_v, axis=1, keepdims=True)
        pos = jnp.min(jnp.where(cat_v == mx, iota2, float(2 * K)), axis=1,
                      keepdims=True)
        sel = jnp.min(jnp.where(iota2 == pos, cat_i, float(M)), axis=1,
                      keepdims=True)
        nv.append(mx)
        ni.append(sel)
        cat_v = jnp.where(iota2 == pos, NEG_INF, cat_v)
    vals_ref[...] = jnp.concatenate(nv, axis=1)
    idx_ref[...] = jnp.concatenate(ni, axis=1).astype(jnp.int32)


def _topk(xf, Wq, mem_keys):
    return pl.pallas_call(
        _topk_kernel,
        grid=(NT, NM),
        in_specs=[
            pl.BlockSpec((TT, D), lambda t, m: (t, 0)),
            pl.BlockSpec((D, D), lambda t, m: (0, 0)),
            pl.BlockSpec((TM, D), lambda t, m: (m, 0)),
        ],
        out_specs=[
            pl.BlockSpec((TT, K), lambda t, m: (t, 0)),
            pl.BlockSpec((TT, K), lambda t, m: (t, 0)),
        ],
        out_shape=[
            jax.ShapeDtypeStruct((N, K), jnp.float32),
            jax.ShapeDtypeStruct((N, K), jnp.int32),
        ],
        scratch_shapes=[pltpu.VMEM((TT, D), jnp.float32)],
        compiler_params=pltpu.CompilerParams(
            dimension_semantics=("parallel", "arbitrary")),
    )(xf, Wq, mem_keys)


SC_NC, SC_NS = 2, 16
SC_NW = SC_NC * SC_NS
R_TOTAL = N * K
R_PER_W = R_TOTAL // SC_NW


def _sc_gather_body(values_hbm, idx_hbm, out_hbm, idx_v, rows_v, sem):
    wid = lax.axis_index("s") * SC_NC + lax.axis_index("c")
    base = wid * R_PER_W
    pltpu.sync_copy(idx_hbm.at[pl.ds(base, R_PER_W)], idx_v)
    pltpu.async_copy(values_hbm.at[idx_v], rows_v, sem).wait()
    pltpu.sync_copy(rows_v, out_hbm.at[pl.ds(base, R_PER_W)])


def _sc_gather(mem_values, idx_flat):
    mesh = plsc.VectorSubcoreMesh(core_axis_name="c", subcore_axis_name="s")
    return pl.kernel(
        _sc_gather_body,
        mesh=mesh,
        out_type=jax.ShapeDtypeStruct((R_TOTAL, D), jnp.float32),
        scratch_types=[
            pltpu.VMEM((R_PER_W,), jnp.int32),
            pltpu.VMEM((R_PER_W, D), jnp.float32),
            pltpu.SemaphoreType.DMA,
        ],
    )(mem_values, idx_flat)


def _epilogue_kernel(x_ref, vals_ref, g_ref, wout_ref, wg1_ref, bg1_ref,
                     wg2_ref, bg2_ref, out_ref):
    vals = vals_ref[...]
    mx = jnp.max(vals, axis=1, keepdims=True)
    e = jnp.exp(vals - mx)
    w = e / jnp.sum(e, axis=1, keepdims=True)

    row_id = lax.broadcasted_iota(jnp.int32, (K, D), 0)
    g = g_ref[...]
    r = jnp.zeros((TT, D), jnp.float32)
    for k in range(K):
        sel = jnp.where(row_id == k, 1.0, 0.0)
        wb = jnp.dot(w, sel, preferred_element_type=jnp.float32)
        r = r + wb * g[:, k, :]

    r = jnp.dot(r, wout_ref[...].T, preferred_element_type=jnp.float32)
    x = x_ref[...]
    gate_in = jnp.concatenate([x, r], axis=1)
    h = jnp.dot(gate_in, wg1_ref[...].T,
                preferred_element_type=jnp.float32) + bg1_ref[...]
    h = 0.5 * h * (1.0 + lax.erf(h * (1.0 / math.sqrt(2.0))))
    gate = jnp.dot(h, wg2_ref[...].T,
                   preferred_element_type=jnp.float32) + bg2_ref[...]
    gate = jax.nn.sigmoid(gate)
    out_ref[...] = x + gate * r


def _epilogue(xf, vals, gathered, Wout, Wg1, bg1, Wg2, bg2):
    H = Wg1.shape[0]
    return pl.pallas_call(
        _epilogue_kernel,
        grid=(NT,),
        in_specs=[
            pl.BlockSpec((TT, D), lambda t: (t, 0)),
            pl.BlockSpec((TT, K), lambda t: (t, 0)),
            pl.BlockSpec((TT, K, D), lambda t: (t, 0, 0)),
            pl.BlockSpec((D, D), lambda t: (0, 0)),
            pl.BlockSpec((H, 2 * D), lambda t: (0, 0)),
            pl.BlockSpec((1, H), lambda t: (0, 0)),
            pl.BlockSpec((D, H), lambda t: (0, 0)),
            pl.BlockSpec((1, D), lambda t: (0, 0)),
        ],
        out_specs=pl.BlockSpec((TT, D), lambda t: (t, 0)),
        out_shape=jax.ShapeDtypeStruct((N, D), jnp.float32),
        compiler_params=pltpu.CompilerParams(
            dimension_semantics=("parallel",)),
    )(xf, vals, gathered, Wout, Wg1, bg1.reshape(1, H),
      jnp.broadcast_to(Wg2, (D, H)), jnp.broadcast_to(bg2.reshape(1, 1),
                                                      (1, D)))


@jax.jit
def kernel(x, Wq, mem_keys, mem_values, Wout, Wg1, bg1, Wg2, bg2):
    xf = x.reshape(N, D)
    vals, idx = _topk(xf, Wq, mem_keys)
    gathered = _sc_gather(mem_values, idx.reshape(R_TOTAL))
    gathered = gathered.reshape(N, K, D)
    out = _epilogue(xf, vals, gathered, Wout, Wg1, bg1, Wg2, bg2)
    return out.reshape(B, T, D)

# --- scband reference (transcript-rebuilt; emitter-appended) ---
"""Pipeline reference for scband-memory-module-40192303956223 (READ-ONLY COPY).

The authoritative reference and input builder live on the scoring server;
editing this copy changes nothing except your own understanding.
"""

import math
import jax, jax.numpy as jnp
import numpy as np

B, T, D, M, K = 2, 1024, 128, 32768, 8


def setup_inputs(seed: int = 0) -> dict:
    key = jax.random.key(seed)
    ks = jax.random.split(key, 9)
    inp = {
        "x": jax.random.normal(ks[0], (B, T, D), dtype=jnp.float32),
        "Wq": jax.random.normal(ks[1], (D, D), dtype=jnp.float32) * 0.02,
        "mem_keys": jax.random.normal(ks[2], (M, D), dtype=jnp.float32) * 0.02,
        "mem_values": jax.random.normal(ks[3], (M, D), dtype=jnp.float32) * 0.02,
        "Wout": jax.random.normal(ks[4], (D, D), dtype=jnp.float32) * 0.02,
        "Wg1": jax.random.normal(ks[5], (D // 2, 2 * D), dtype=jnp.float32) * 0.02,
        "bg1": jnp.zeros((D // 2,), dtype=jnp.float32),
        "Wg2": jax.random.normal(ks[6], (1, D // 2), dtype=jnp.float32) * 0.02,
        "bg2": jnp.zeros((1,), dtype=jnp.float32),
    }
    return inp


def reference(x, Wq, mem_keys, mem_values, Wout, Wg1, bg1, Wg2, bg2):
    # queries = self.query_proj(x)
    queries = x @ Wq.T
    # sim = einsum('btd,md->btm', queries, memory_keys) / sqrt(D)
    sim = jnp.einsum('btd,md->btm', queries, mem_keys) / math.sqrt(D)
    # top-k over memory slots
    top_k_sim, top_k_idx = jax.lax.top_k(sim, K)  # [B,T,K]
    top_k_weights = jax.nn.softmax(top_k_sim, axis=-1)
    # gather memory values by winning slot ids
    gathered = jnp.take(mem_values, top_k_idx, axis=0)  # [B,T,K,D]
    retrieved = jnp.einsum('btk,btkd->btd', top_k_weights, gathered)
    # out_proj
    retrieved = retrieved @ Wout.T
    # gate = Sigmoid(Linear(GELU(Linear(cat[x, retrieved]))))
    gate_in = jnp.concatenate([x, retrieved], axis=-1)
    h = jax.nn.gelu(gate_in @ Wg1.T + bg1, approximate=False)
    gate = jax.nn.sigmoid(h @ Wg2.T + bg2)
    output = x + gate * retrieved
    return output

if __name__ == "__main__":
    import jax
    _d = setup_inputs()
    print(jax.jit(kernel)(*tuple(_d.values())))

</pallas_src>

<mosaic_0001>
#map = affine_map<(d0, d1) -> (0, 0)>
#map1 = affine_map<(d0, d1) -> (0)>
module attributes {stable_mosaic.version = 14 : i64} {
  func.func @_sc_gather_body(%arg0: i32, %arg1: i32, %arg2: memref<32768x128xf32, #tpu.memory_space<hbm>>, %arg3: memref<16384xi32, #tpu.memory_space<hbm>>, %arg4: memref<16384x128xf32, #tpu.memory_space<hbm>>, %arg5: memref<512xi32, #tpu.memory_space<vmem>>, %arg6: memref<512x128xf32, #tpu.memory_space<vmem>>, %arg7: memref<!tpu.dma_semaphore, #tpu.memory_space<semaphore_mem>>) attributes {dimension_semantics = [#tpu.dimension_semantics<core_parallel>, #tpu.dimension_semantics<subcore_parallel>], iteration_bounds = array<i64: 2, 16>, scalar_prefetch = 0 : i64, scratch_operands = 3 : i64, tpu.core_type = #tpu.core_type<sc_vector_subcore>, window_params = [{transform_indices = #map}, {transform_indices = #map1}, {transform_indices = #map}]} {
    %mul3A = arith.constant 2 : i32
    %mul3A_0 = arith.muli %arg1, %mul3A : i32
    %add3A = arith.addi %mul3A_0, %arg0 : i32
    %mul3A_1 = arith.constant 512 : i32
    %mul3A_2 = arith.muli %add3A, %mul3A_1 : i32
    "tpu.region"() ({
      %run_scoped3A = tpu.sem_alloc : memref<!tpu.dma_semaphore, #tpu.memory_space<semaphore_mem>>
      %dma_start3A_7 = tpu.memref_slice %arg3[%mul3A_2] : memref<16384xi32, #tpu.memory_space<hbm>> -> memref<512xi32, #tpu.memory_space<hbm>>
      %dma_start3A_8 = tpu.memref_slice %arg3[%mul3A_2] : memref<16384xi32, #tpu.memory_space<hbm>> -> memref<512xi32, #tpu.memory_space<hbm>>
      tpu.enqueue_dma source(%dma_start3A_8 : memref<512xi32, #tpu.memory_space<hbm>>) target(%arg5 : memref<512xi32, #tpu.memory_space<vmem>>) target_semaphore(%run_scoped3A : memref<!tpu.dma_semaphore, #tpu.memory_space<semaphore_mem>>)
      %dma_wait3A_9 = tpu.memref_slice %arg3[%mul3A_2] : memref<16384xi32, #tpu.memory_space<hbm>> -> memref<512xi32, #tpu.memory_space<hbm>>
      %dma_wait3A_10 = tpu.memref_slice %arg3[%mul3A_2] : memref<16384xi32, #tpu.memory_space<hbm>> -> memref<512xi32, #tpu.memory_space<hbm>>
      tpu.wait_dma2 semaphore(%run_scoped3A : memref<!tpu.dma_semaphore, #tpu.memory_space<semaphore_mem>>) src(%dma_wait3A_10 : memref<512xi32, #tpu.memory_space<hbm>>) dst(%arg5 : memref<512xi32, #tpu.memory_space<vmem>>)
      tpu.yield
    }) : () -> ()
    %dma_start3A = arith.constant 0 : i32
    %dma_start3A_3 = arith.constant 0 : i32
    %dma_start3A_4 = tpu.memref_slice %arg2[%dma_start3A, %dma_start3A_3] : memref<32768x128xf32, #tpu.memory_space<hbm>> -> memref<32768x128xf32, #tpu.memory_space<hbm>>
    tpu.enqueue_indirect_dma source(%dma_start3A_4 : memref<32768x128xf32, #tpu.memory_space<hbm>>) target(%arg6 : memref<512x128xf32, #tpu.memory_space<vmem>>) offsets(%arg5 : memref<512xi32, #tpu.memory_space<vmem>>) semaphore(%arg7 : memref<!tpu.dma_semaphore, #tpu.memory_space<semaphore_mem>>)
    %dma_wait3A = arith.constant 0 : i32
    %dma_wait3A_5 = arith.constant 0 : i32
    %dma_wait3A_6 = tpu.memref_slice %arg2[%dma_wait3A, %dma_wait3A_5] : memref<32768x128xf32, #tpu.memory_space<hbm>> -> memref<32768x128xf32, #tpu.memory_space<hbm>>
    tpu.wait_indirect_dma semaphore(%arg7 : memref<!tpu.dma_semaphore, #tpu.memory_space<semaphore_mem>>) src(%dma_wait3A_6 : memref<32768x128xf32, #tpu.memory_space<hbm>>) dst(%arg6 : memref<512x128xf32, #tpu.memory_space<vmem>>)
    "tpu.region"() ({
      %run_scoped3A = tpu.sem_alloc : memref<!tpu.dma_semaphore, #tpu.memory_space<semaphore_mem>>
      %dma_start3A_7 = arith.constant 0 : i32
      %dma_start3A_8 = tpu.memref_slice %arg4[%mul3A_2, %dma_start3A_7] : memref<16384x128xf32, #tpu.memory_space<hbm>> -> memref<512x128xf32, #tpu.memory_space<hbm>>
      %dma_start3A_9 = arith.constant 0 : i32
      %dma_start3A_10 = tpu.memref_slice %arg4[%mul3A_2, %dma_start3A_9] : memref<16384x128xf32, #tpu.memory_space<hbm>> -> memref<512x128xf32, #tpu.memory_space<hbm>>
      tpu.enqueue_dma source(%arg6 : memref<512x128xf32, #tpu.memory_space<vmem>>) target(%dma_start3A_10 : memref<512x128xf32, #tpu.memory_space<hbm>>) target_semaphore(%run_scoped3A : memref<!tpu.dma_semaphore, #tpu.memory_space<semaphore_mem>>)
      %dma_wait3A_11 = arith.constant 0 : i32
      %dma_wait3A_12 = tpu.memref_slice %arg4[%mul3A_2, %dma_wait3A_11] : memref<16384x128xf32, #tpu.memory_space<hbm>> -> memref<512x128xf32, #tpu.memory_space<hbm>>
      %dma_wait3A_13 = arith.constant 0 : i32
      %dma_wait3A_14 = tpu.memref_slice %arg4[%mul3A_2, %dma_wait3A_13] : memref<16384x128xf32, #tpu.memory_space<hbm>> -> memref<512x128xf32, #tpu.memory_space<hbm>>
      tpu.wait_dma2 semaphore(%run_scoped3A : memref<!tpu.dma_semaphore, #tpu.memory_space<semaphore_mem>>) src(%arg6 : memref<512x128xf32, #tpu.memory_space<vmem>>) dst(%dma_wait3A_14 : memref<512x128xf32, #tpu.memory_space<hbm>>)
      tpu.yield
    }) : () -> ()
    return
  }
}

module attributes {stable_mosaic.version = 14 : i64} {
  func.func @_topk_kernel(%arg0: i32, %arg1: i32, %arg2: memref<512x128xf32, #tpu.memory_space<vmem>>, %arg3: memref<128x128xf32, #tpu.memory_space<vmem>>, %arg4: memref<4096x128xf32, #tpu.memory_space<vmem>>, %arg5: memref<512x8xf32, #tpu.memory_space<vmem>>, %arg6: memref<512x8xi32, #tpu.memory_space<vmem>>, %arg7: memref<512x128xf32, #tpu.memory_space<vmem>>) attributes {dimension_semantics = [#tpu.dimension_semantics<parallel>, #tpu.dimension_semantics<arbitrary>], iteration_bounds = array<i64: 4, 8>, scalar_prefetch = 0 : i64, scratch_operands = 1 : i64, tpu.core_type = #tpu.core_type<tc>, window_params = [{transform_indices = @transform_0, window_bounds = array<i64: 512, 128>}, {pipeline_mode = #tpu.pipeline_mode<synchronous>, transform_indices = @transform_1, window_bounds = array<i64: 128, 128>}, {transform_indices = @transform_2, window_bounds = array<i64: 4096, 128>}, {transform_indices = @transform_3, window_bounds = array<i64: 512, 8>}, {transform_indices = @transform_4, window_bounds = array<i64: 512, 8>}]} {
    %eq3A = arith.constant 0 : i32
    %eq3A_0 = arith.cmpi eq, %arg1, %eq3A : i32
    %convert_element_type3A = arith.extui %eq3A_0 : i1 to i32
    %cond3A = arith.constant 0 : i32
    %cond3A_1 = arith.cmpi ne, %convert_element_type3A, %cond3A : i32
    scf.if %cond3A_1 {
      %get3A_373 = arith.constant 0 : index
      %get3A_374 = arith.constant 0 : index
      %get3A_375 = vector.load %arg2[%get3A_373, %get3A_374] : memref<512x128xf32, #tpu.memory_space<vmem>>, vector<512x128xf32>
      %get3A_376 = arith.constant 0 : index
      %get3A_377 = arith.constant 0 : index
      %get3A_378 = vector.load %arg3[%get3A_376, %get3A_377] : memref<128x128xf32, #tpu.memory_space<vmem>>, vector<128x128xf32>
      %transpose3A_379 = tpu.transpose %get3A_378, [1, 0] : vector<128x128xf32> -> vector<128x128xf32>
      %dot_general3A_380 = arith.constant dense<0.000000e+00> : vector<512x128xf32>
      %dot_general3A_381 = tpu.matmul %get3A_375, %transpose3A_379, %dot_general3A_380 {dimension_numbers = #tpu.dot_dimension_numbers<[1], [0], [0], [1], [0, 0, 1, 1], [], []>, transpose_lhs_hint = false} : vector<512x128xf32>, vector<128x128xf32>, vector<512x128xf32> -> vector<512x128xf32>
      %swap3A_382 = arith.constant 0 : index
      %swap3A_383 = arith.constant 0 : index
      %swap3A_384 = vector.load %arg7[%swap3A_382, %swap3A_383] : memref<512x128xf32, #tpu.memory_space<vmem>>, vector<512x128xf32>
      tpu.vector_store %arg7[%swap3A_382, %swap3A_383], %dot_general3A_381 {strides = array<i32>} : memref<512x128xf32, #tpu.memory_space<vmem>>, vector<512x128xf32>,
      %broadcast_in_dim3A_385 = arith.constant 0xFF800000 : f32
      %broadcast_in_dim3A_386 = vector.broadcast %broadcast_in_dim3A_385 : f32 to vector<512x8xf32>
      %swap3A_387 = arith.constant 0 : index
      %swap3A_388 = arith.constant 0 : index
      %swap3A_389 = vector.load %arg5[%swap3A_387, %swap3A_388] : memref<512x8xf32, #tpu.memory_space<vmem>>, vector<512x8xf32>
      tpu.vector_store %arg5[%swap3A_387, %swap3A_388], %broadcast_in_dim3A_386 {strides = array<i32>} : memref<512x8xf32, #tpu.memory_space<vmem>>, vector<512x8xf32>,
      %broadcast_in_dim3A_390 = arith.constant 0 : i32
      %broadcast_in_dim3A_391 = vector.broadcast %broadcast_in_dim3A_390 : i32 to vector<512x8xi32>
      %swap3A_392 = arith.constant 0 : index
      %swap3A_393 = arith.constant 0 : index
      %swap3A_394 = vector.load %arg6[%swap3A_392, %swap3A_393] : memref<512x8xi32, #tpu.memory_space<vmem>>, vector<512x8xi32>
      tpu.vector_store %arg6[%swap3A_392, %swap3A_393], %broadcast_in_dim3A_391 {strides = array<i32>} : memref<512x8xi32, #tpu.memory_space<vmem>>, vector<512x8xi32>,
    } else {
    }
    %get3A = arith.constant 0 : index
    %get3A_2 = arith.constant 0 : index
    %get3A_3 = vector.load %arg7[%get3A, %get3A_2] : memref<512x128xf32, #tpu.memory_space<vmem>>, vector<512x128xf32>
    %get3A_4 = arith.constant 0 : index
    %get3A_5 = arith.constant 0 : index
    %get3A_6 = vector.load %arg4[%get3A_4, %get3A_5] : memref<4096x128xf32, #tpu.memory_space<vmem>>, vector<4096x128xf32>
    %transpose3A = tpu.transpose %get3A_6, [1, 0] : vector<4096x128xf32> -> vector<128x4096xf32>
    %dot_general3A = arith.constant dense<0.000000e+00> : vector<512x4096xf32>
    %dot_general3A_7 = tpu.matmul %get3A_3, %transpose3A, %dot_general3A {dimension_numbers = #tpu.dot_dimension_numbers<[1], [0], [0], [1], [0, 0, 1, 1], [], []>, transpose_lhs_hint = false} : vector<512x128xf32>, vector<128x4096xf32>, vector<512x4096xf32> -> vector<512x4096xf32>
    %mul3A = arith.constant 0.0883883461 : f32
    %mul3A_8 = vector.broadcast %mul3A : f32 to vector<512x4096xf32>
    %mul3A_9 = arith.mulf %dot_general3A_7, %mul3A_8 : vector<512x4096xf32>
    %iota3A = tpu.iota {dimensions = array<i32: 1>} : vector<512x4096xi32>
    %convert_element_type3A_10 = arith.sitofp %iota3A : vector<512x4096xi32> to vector<512x4096xf32>
    %reduce_max3A = arith.constant dense<0xFF800000> : vector<512xf32>
    %reduce_max3A_11 = vector.multi_reduction <maximumf>, %mul3A_9, %reduce_max3A [1] : vector<512x4096xf32> to vector<512xf32>
    %broadcast_in_dim3A = vector.shape_cast %reduce_max3A_11 : vector<512xf32> to vector<512x1xf32>
    %eq3A_12 = vector.broadcast %broadcast_in_dim3A : vector<512x1xf32> to vector<512x4096xf32>
    %eq3A_13 = arith.cmpf oeq, %mul3A_9, %eq3A_12 : vector<512x4096xf32>
    %jit3A = arith.constant 4.096000e+03 : f32
    %broadcast_in_dim3A_14 = vector.broadcast %jit3A : f32 to vector<512x4096xf32>
    %select_n3A = arith.select %eq3A_13, %convert_element_type3A_10, %broadcast_in_dim3A_14 : vector<512x4096xi1>, vector<512x4096xf32>
    %reduce_min3A = arith.constant dense<0x7F800000> : vector<512xf32>
    %reduce_min3A_15 = vector.multi_reduction <minimumf>, %select_n3A, %reduce_min3A [1] : vector<512x4096xf32> to vector<512xf32>
    %broadcast_in_dim3A_16 = vector.shape_cast %reduce_min3A_15 : vector<512xf32> to vector<512x1xf32>
    %mul3A_17 = arith.constant 4096 : i32
    %mul3A_18 = arith.muli %arg1, %mul3A_17 : i32
    %convert_element_type3A_19 = arith.sitofp %mul3A_18 : i32 to f32
    %add3A = vector.broadcast %convert_element_type3A_19 : f32 to vector<512x1xf32>
    %add3A_20 = arith.addf %broadcast_in_dim3A_16, %add3A : vector<512x1xf32>
    %eq3A_21 = vector.broadcast %broadcast_in_dim3A_16 : vector<512x1xf32> to vector<512x4096xf32>
    %eq3A_22 = arith.cmpf oeq, %convert_element_type3A_10, %eq3A_21 : vector<512x4096xf32>
    %jit3A_23 = arith.constant 0xFF800000 : f32
    %broadcast_in_dim3A_24 = vector.broadcast %jit3A_23 : f32 to vector<512x4096xf32>
    %select_n3A_25 = arith.select %eq3A_22, %broadcast_in_dim3A_24, %mul3A_9 : vector<512x4096xi1>, vector<512x4096xf32>
    %reduce_max3A_26 = arith.constant dense<0xFF800000> : vector<512xf32>
    %reduce_max3A_27 = vector.multi_reduction <maximumf>, %select_n3A_25, %reduce_max3A_26 [1] : vector<512x4096xf32> to vector<512xf32>
    %broadcast_in_dim3A_28 = vector.shape_cast %reduce_max3A_27 : vector<512xf32> to vector<512x1xf32>
    %eq3A_29 = vector.broadcast %broadcast_in_dim3A_28 : vector<512x1xf32> to vector<512x4096xf32>
    %eq3A_30 = arith.cmpf oeq, %select_n3A_25, %eq3A_29 : vector<512x4096xf32>
    %jit3A_31 = arith.constant 4.096000e+03 : f32
    %broadcast_in_dim3A_32 = vector.broadcast %jit3A_31 : f32 to vector<512x4096xf32>
    %select_n3A_33 = arith.select %eq3A_30, %convert_element_type3A_10, %broadcast_in_dim3A_32 : vector<512x4096xi1>, vector<512x4096xf32>
    %reduce_min3A_34 = arith.constant dense<0x7F800000> : vector<512xf32>
    %reduce_min3A_35 = vector.multi_reduction <minimumf>, %select_n3A_33, %reduce_min3A_34 [1] : vector<512x4096xf32> to vector<512xf32>
    %broadcast_in_dim3A_36 = vector.shape_cast %reduce_min3A_35 : vector<512xf32> to vector<512x1xf32>
    %mul3A_37 = arith.constant 4096 : i32
    %mul3A_38 = arith.muli %arg1, %mul3A_37 : i32
    %convert_element_type3A_39 = arith.sitofp %mul3A_38 : i32 to f32
    %add3A_40 = vector.broadcast %convert_element_type3A_39 : f32 to vector<512x1xf32>
    %add3A_41 = arith.addf %broadcast_in_dim3A_36, %add3A_40 : vector<512x1xf32>
    %eq3A_42 = vector.broadcast %broadcast_in_dim3A_36 : vector<512x1xf32> to vector<512x4096xf32>
    %eq3A_43 = arith.cmpf oeq, %convert_element_type3A_10, %eq3A_42 : vector<512x4096xf32>
    %jit3A_44 = arith.constant 0xFF800000 : f32
    %broadcast_in_dim3A_45 = vector.broadcast %jit3A_44 : f32 to vector<512x4096xf32>
    %select_n3A_46 = arith.select %eq3A_43, %broadcast_in_dim3A_45, %select_n3A_25 : vector<512x4096xi1>, vector<512x4096xf32>
    %reduce_max3A_47 = arith.constant dense<0xFF800000> : vector<512xf32>
    %reduce_max3A_48 = vector.multi_reduction <maximumf>, %select_n3A_46, %reduce_max3A_47 [1] : vector<512x4096xf32> to vector<512xf32>
    %broadcast_in_dim3A_49 = vector.shape_cast %reduce_max3A_48 : vector<512xf32> to vector<512x1xf32>
    %eq3A_50 = vector.broadcast %broadcast_in_dim3A_49 : vector<512x1xf32> to vector<512x4096xf32>
    %eq3A_51 = arith.cmpf oeq, %select_n3A_46, %eq3A_50 : vector<512x4096xf32>
    %jit3A_52 = arith.constant 4.096000e+03 : f32
    %broadcast_in_dim3A_53 = vector.broadcast %jit3A_52 : f32 to vector<512x4096xf32>
    %select_n3A_54 = arith.select %eq3A_51, %convert_element_type3A_10, %broadcast_in_dim3A_53 : vector<512x4096xi1>, vector<512x4096xf32>
    %reduce_min3A_55 = arith.constant dense<0x7F800000> : vector<512xf32>
    %reduce_min3A_56 = vector.multi_reduction <minimumf>, %select_n3A_54, %reduce_min3A_55 [1] : vector<512x4096xf32> to vector<512xf32>
    %broadcast_in_dim3A_57 = vector.shape_cast %reduce_min3A_56 : vector<512xf32> to vector<512x1xf32>
    %mul3A_58 = arith.constant 4096 : i32
    %mul3A_59 = arith.muli %arg1, %mul3A_58 : i32
    %convert_element_type3A_60 = arith.sitofp %mul3A_59 : i32 to f32
    %add3A_61 = vector.broadcast %convert_element_type3A_60 : f32 to vector<512x1xf32>
    %add3A_62 = arith.addf %broadcast_in_dim3A_57, %add3A_61 : vector<512x1xf32>
    %eq3A_63 = vector.broadcast %broadcast_in_dim3A_57 : vector<512x1xf32> to vector<512x4096xf32>
    %eq3A_64 = arith.cmpf oeq, %convert_element_type3A_10, %eq3A_63 : vector<512x4096xf32>
    %jit3A_65 = arith.constant 0xFF800000 : f32
    %broadcast_in_dim3A_66 = vector.broadcast %jit3A_65 : f32 to vector<512x4096xf32>
    %select_n3A_67 = arith.select %eq3A_64, %broadcast_in_dim3A_66, %select_n3A_46 : vector<512x4096xi1>, vector<512x4096xf32>
    %reduce_max3A_68 = arith.constant dense<0xFF800000> : vector<512xf32>
    %reduce_max3A_69 = vector.multi_reduction <maximumf>, %select_n3A_67, %reduce_max3A_68 [1] : vector<512x4096xf32> to vector<512xf32>
    %broadcast_in_dim3A_70 = vector.shape_cast %reduce_max3A_69 : vector<512xf32> to vector<512x1xf32>
    %eq3A_71 = vector.broadcast %broadcast_in_dim3A_70 : vector<512x1xf32> to vector<512x4096xf32>
    %eq3A_72 = arith.cmpf oeq, %select_n3A_67, %eq3A_71 : vector<512x4096xf32>
    %jit3A_73 = arith.constant 4.096000e+03 : f32
    %broadcast_in_dim3A_74 = vector.broadcast %jit3A_73 : f32 to vector<512x4096xf32>
    %select_n3A_75 = arith.select %eq3A_72, %convert_element_type3A_10, %broadcast_in_dim3A_74 : vector<512x4096xi1>, vector<512x4096xf32>
    %reduce_min3A_76 = arith.constant dense<0x7F800000> : vector<512xf32>
    %reduce_min3A_77 = vector.multi_reduction <minimumf>, %select_n3A_75, %reduce_min3A_76 [1] : vector<512x4096xf32> to vector<512xf32>
    %broadcast_in_dim3A_78 = vector.shape_cast %reduce_min3A_77 : vector<512xf32> to vector<512x1xf32>
    %mul3A_79 = arith.constant 4096 : i32
    %mul3A_80 = arith.muli %arg1, %mul3A_79 : i32
    %convert_element_type3A_81 = arith.sitofp %mul3A_80 : i32 to f32
    %add3A_82 = vector.broadcast %convert_element_type3A_81 : f32 to vector<512x1xf32>
    %add3A_83 = arith.addf %broadcast_in_dim3A_78, %add3A_82 : vector<512x1xf32>
    %eq3A_84 = vector.broadcast %broadcast_in_dim3A_78 : vector<512x1xf32> to vector<512x4096xf32>
    %eq3A_85 = arith.cmpf oeq, %convert_element_type3A_10, %eq3A_84 : vector<512x4096xf32>
    %jit3A_86 = arith.constant 0xFF800000 : f32
    %broadcast_in_dim3A_87 = vector.broadcast %jit3A_86 : f32 to vector<512x4096xf32>
    %select_n3A_88 = arith.select %eq3A_85, %broadcast_in_dim3A_87, %select_n3A_67 : vector<512x4096xi1>, vector<512x4096xf32>
    %reduce_max3A_89 = arith.constant dense<0xFF800000> : vector<512xf32>
    %reduce_max3A_90 = vector.multi_reduction <maximumf>, %select_n3A_88, %reduce_max3A_89 [1] : vector<512x4096xf32> to vector<512xf32>
    %broadcast_in_dim3A_91 = vector.shape_cast %reduce_max3A_90 : vector<512xf32> to vector<512x1xf32>
    %eq3A_92 = vector.broadcast %broadcast_in_dim3A_91 : vector<512x1xf32> to vector<512x4096xf32>
    %eq3A_93 = arith.cmpf oeq, %select_n3A_88, %eq3A_92 : vector<512x4096xf32>
    %jit3A_94 = arith.constant 4.096000e+03 : f32
    %broadcast_in_dim3A_95 = vector.broadcast %jit3A_94 : f32 to vector<512x4096xf32>
    %select_n3A_96 = arith.select %eq3A_93, %convert_element_type3A_10, %broadcast_in_dim3A_95 : vector<512x4096xi1>, vector<512x4096xf32>
    %reduce_min3A_97 = arith.constant dense<0x7F800000> : vector<512xf32>
    %reduce_min3A_98 = vector.multi_reduction <minimumf>, %select_n3A_96, %reduce_min3A_97 [1] : vector<512x4096xf32> to vector<512xf32>
    %broadcast_in_dim3A_99 = vector.shape_cast %reduce_min3A_98 : vector<512xf32> to vector<512x1xf32>
    %mul3A_100 = arith.constant 4096 : i32
    %mul3A_101 = arith.muli %arg1, %mul3A_100 : i32
    %convert_element_type3A_102 = arith.sitofp %mul3A_101 : i32 to f32
    %add3A_103 = vector.broadcast %convert_element_type3A_102 : f32 to vector<512x1xf32>
    %add3A_104 = arith.addf %broadcast_in_dim3A_99, %add3A_103 : vector<512x1xf32>
    %eq3A_105 = vector.broadcast %broadcast_in_dim3A_99 : vector<512x1xf32> to vector<512x4096xf32>
    %eq3A_106 = arith.cmpf oeq, %convert_element_type3A_10, %eq3A_105 : vector<512x4096xf32>
    %jit3A_107 = arith.constant 0xFF800000 : f32
    %broadcast_in_dim3A_108 = vector.broadcast %jit3A_107 : f32 to vector<512x4096xf32>
    %select_n3A_109 = arith.select %eq3A_106, %broadcast_in_dim3A_108, %select_n3A_88 : vector<512x4096xi1>, vector<512x4096xf32>
    %reduce_max3A_110 = arith.constant dense<0xFF800000> : vector<512xf32>
    %reduce_max3A_111 = vector.multi_reduction <maximumf>, %select_n3A_109, %reduce_max3A_110 [1] : vector<512x4096xf32> to vector<512xf32>
    %broadcast_in_dim3A_112 = vector.shape_cast %reduce_max3A_111 : vector<512xf32> to vector<512x1xf32>
    %eq3A_113 = vector.broadcast %broadcast_in_dim3A_112 : vector<512x1xf32> to vector<512x4096xf32>
    %eq3A_114 = arith.cmpf oeq, %select_n3A_109, %eq3A_113 : vector<512x4096xf32>
    %jit3A_115 = arith.constant 4.096000e+03 : f32
    %broadcast_in_dim3A_116 = vector.broadcast %jit3A_115 : f32 to vector<512x4096xf32>
    %select_n3A_117 = arith.select %eq3A_114, %convert_element_type3A_10, %broadcast_in_dim3A_116 : vector<512x4096xi1>, vector<512x4096xf32>
    %reduce_min3A_118 = arith.constant dense<0x7F800000> : vector<512xf32>
    %reduce_min3A_119 = vector.multi_reduction <minimumf>, %select_n3A_117, %reduce_min3A_118 [1] : vector<512x4096xf32> to vector<512xf32>
    %broadcast_in_dim3A_120 = vector.shape_cast %reduce_min3A_119 : vector<512xf32> to vector<512x1xf32>
    %mul3A_121 = arith.constant 4096 : i32
    %mul3A_122 = arith.muli %arg1, %mul3A_121 : i32
    %convert_element_type3A_123 = arith.sitofp %mul3A_122 : i32 to f32
    %add3A_124 = vector.broadcast %convert_element_type3A_123 : f32 to vector<512x1xf32>
    %add3A_125 = arith.addf %broadcast_in_dim3A_120, %add3A_124 : vector<512x1xf32>
    %eq3A_126 = vector.broadcast %broadcast_in_dim3A_120 : vector<512x1xf32> to vector<512x4096xf32>
    %eq3A_127 = arith.cmpf oeq, %convert_element_type3A_10, %eq3A_126 : vector<512x4096xf32>
    %jit3A_128 = arith.constant 0xFF800000 : f32
    %broadcast_in_dim3A_129 = vector.broadcast %jit3A_128 : f32 to vector<512x4096xf32>
    %select_n3A_130 = arith.select %eq3A_127, %broadcast_in_dim3A_129, %select_n3A_109 : vector<512x4096xi1>, vector<512x4096xf32>
    %reduce_max3A_131 = arith.constant dense<0xFF800000> : vector<512xf32>
    %reduce_max3A_132 = vector.multi_reduction <maximumf>, %select_n3A_130, %reduce_max3A_131 [1] : vector<512x4096xf32> to vector<512xf32>
    %broadcast_in_dim3A_133 = vector.shape_cast %reduce_max3A_132 : vector<512xf32> to vector<512x1xf32>
    %eq3A_134 = vector.broadcast %broadcast_in_dim3A_133 : vector<512x1xf32> to vector<512x4096xf32>
    %eq3A_135 = arith.cmpf oeq, %select_n3A_130, %eq3A_134 : vector<512x4096xf32>
    %jit3A_136 = arith.constant 4.096000e+03 : f32
    %broadcast_in_dim3A_137 = vector.broadcast %jit3A_136 : f32 to vector<512x4096xf32>
    %select_n3A_138 = arith.select %eq3A_135, %convert_element_type3A_10, %broadcast_in_dim3A_137 : vector<512x4096xi1>, vector<512x4096xf32>
    %reduce_min3A_139 = arith.constant dense<0x7F800000> : vector<512xf32>
    %reduce_min3A_140 = vector.multi_reduction <minimumf>, %select_n3A_138, %reduce_min3A_139 [1] : vector<512x4096xf32> to vector<512xf32>
    %broadcast_in_dim3A_141 = vector.shape_cast %reduce_min3A_140 : vector<512xf32> to vector<512x1xf32>
    %mul3A_142 = arith.constant 4096 : i32
    %mul3A_143 = arith.muli %arg1, %mul3A_142 : i32
    %convert_element_type3A_144 = arith.sitofp %mul3A_143 : i32 to f32
    %add3A_145 = vector.broadcast %convert_element_type3A_144 : f32 to vector<512x1xf32>
    %add3A_146 = arith.addf %broadcast_in_dim3A_141, %add3A_145 : vector<512x1xf32>
    %eq3A_147 = vector.broadcast %broadcast_in_dim3A_141 : vector<512x1xf32> to vector<512x4096xf32>
    %eq3A_148 = arith.cmpf oeq, %convert_element_type3A_10, %eq3A_147 : vector<512x4096xf32>
    %jit3A_149 = arith.constant 0xFF800000 : f32
    %broadcast_in_dim3A_150 = vector.broadcast %jit3A_149 : f32 to vector<512x4096xf32>
    %select_n3A_151 = arith.select %eq3A_148, %broadcast_in_dim3A_150, %select_n3A_130 : vector<512x4096xi1>, vector<512x4096xf32>
    %reduce_max3A_152 = arith.constant dense<0xFF800000> : vector<512xf32>
    %reduce_max3A_153 = vector.multi_reduction <maximumf>, %select_n3A_151, %reduce_max3A_152 [1] : vector<512x4096xf32> to vector<512xf32>
    %broadcast_in_dim3A_154 = vector.shape_cast %reduce_max3A_153 : vector<512xf32> to vector<512x1xf32>
    %eq3A_155 = vector.broadcast %broadcast_in_dim3A_154 : vector<512x1xf32> to vector<512x4096xf32>
    %eq3A_156 = arith.cmpf oeq, %select_n3A_151, %eq3A_155 : vector<512x4096xf32>
    %jit3A_157 = arith.constant 4.096000e+03 : f32
    %broadcast_in_dim3A_158 = vector.broadcast %jit3A_157 : f32 to vector<512x4096xf32>
    %select_n3A_159 = arith.select %eq3A_156, %convert_element_type3A_10, %broadcast_in_dim3A_158 : vector<512x4096xi1>, vector<512x4096xf32>
    %reduce_min3A_160 = arith.constant dense<0x7F800000> : vector<512xf32>
    %reduce_min3A_161 = vector.multi_reduction <minimumf>, %select_n3A_159, %reduce_min3A_160 [1] : vector<512x4096xf32> to vector<512xf32>
    %broadcast_in_dim3A_162 = vector.shape_cast %reduce_min3A_161 : vector<512xf32> to vector<512x1xf32>
    %mul3A_163 = arith.constant 4096 : i32
    %mul3A_164 = arith.muli %arg1, %mul3A_163 : i32
    %convert_element_type3A_165 = arith.sitofp %mul3A_164 : i32 to f32
    %add3A_166 = vector.broadcast %convert_element_type3A_165 : f32 to vector<512x1xf32>
    %add3A_167 = arith.addf %broadcast_in_dim3A_162, %add3A_166 : vector<512x1xf32>
    %get3A_168 = arith.constant 0 : index
    %get3A_169 = arith.constant 0 : index
    %get3A_170 = vector.load %arg5[%get3A_168, %get3A_169] : memref<512x8xf32, #tpu.memory_space<vmem>>, vector<512x8xf32>
    %concatenate3A = tpu.concatenate %get3A_170, %broadcast_in_dim3A, %broadcast_in_dim3A_28, %broadcast_in_dim3A_49, %broadcast_in_dim3A_70, %broadcast_in_dim3A_91, %broadcast_in_dim3A_112, %broadcast_in_dim3A_133, %broadcast_in_dim3A_154 in 1 : vector<512x8xf32>, vector<512x1xf32>, vector<512x1xf32>, vector<512x1xf32>, vector<512x1xf32>, vector<512x1xf32>, vector<512x1xf32>, vector<512x1xf32>, vector<512x1xf32> -> vector<512x16xf32>
    %get3A_171 = arith.constant 0 : index
    %get3A_172 = arith.constant 0 : index
    %get3A_173 = vector.load %arg6[%get3A_171, %get3A_172] : memref<512x8xi32, #tpu.memory_space<vmem>>, vector<512x8xi32>
    %convert_element_type3A_174 = arith.sitofp %get3A_173 : vector<512x8xi32> to vector<512x8xf32>
    %concatenate3A_175 = tpu.concatenate %convert_element_type3A_174, %add3A_20, %add3A_41, %add3A_62, %add3A_83, %add3A_104, %add3A_125, %add3A_146, %add3A_167 in 1 : vector<512x8xf32>, vector<512x1xf32>, vector<512x1xf32>, vector<512x1xf32>, vector<512x1xf32>, vector<512x1xf32>, vector<512x1xf32>, vector<512x1xf32>, vector<512x1xf32> -> vector<512x16xf32>
    %iota3A_176 = tpu.iota {dimensions = array<i32: 1>} : vector<512x16xi32>
    %convert_element_type3A_177 = arith.sitofp %iota3A_176 : vector<512x16xi32> to vector<512x16xf32>
    %reduce_max3A_178 = arith.constant dense<0xFF800000> : vector<512xf32>
    %reduce_max3A_179 = vector.multi_reduction <maximumf>, %concatenate3A, %reduce_max3A_178 [1] : vector<512x16xf32> to vector<512xf32>
    %broadcast_in_dim3A_180 = vector.shape_cast %reduce_max3A_179 : vector<512xf32> to vector<512x1xf32>
    %eq3A_181 = vector.broadcast %broadcast_in_dim3A_180 : vector<512x1xf32> to vector<512x16xf32>
    %eq3A_182 = arith.cmpf oeq, %concatenate3A, %eq3A_181 : vector<512x16xf32>
    %jit3A_183 = arith.constant 1.600000e+01 : f32
    %broadcast_in_dim3A_184 = vector.broadcast %jit3A_183 : f32 to vector<512x16xf32>
    %select_n3A_185 = arith.select %eq3A_182, %convert_element_type3A_177, %broadcast_in_dim3A_184 : vector<512x16xi1>, vector<512x16xf32>
    %reduce_min3A_186 = arith.constant dense<0x7F800000> : vector<512xf32>
    %reduce_min3A_187 = vector.multi_reduction <minimumf>, %select_n3A_185, %reduce_min3A_186 [1] : vector<512x16xf32> to vector<512xf32>
    %broadcast_in_dim3A_188 = vector.shape_cast %reduce_min3A_187 : vector<512xf32> to vector<512x1xf32>
    %eq3A_189 = vector.broadcast %broadcast_in_dim3A_188 : vector<512x1xf32> to vector<512x16xf32>
    %eq3A_190 = arith.cmpf oeq, %convert_element_type3A_177, %eq3A_189 : vector<512x16xf32>
    %jit3A_191 = arith.constant 3.276800e+04 : f32
    %broadcast_in_dim3A_192 = vector.broadcast %jit3A_191 : f32 to vector<512x16xf32>
    %select_n3A_193 = arith.select %eq3A_190, %concatenate3A_175, %broadcast_in_dim3A_192 : vector<512x16xi1>, vector<512x16xf32>
    %reduce_min3A_194 = arith.constant dense<0x7F800000> : vector<512xf32>
    %reduce_min3A_195 = vector.multi_reduction <minimumf>, %select_n3A_193, %reduce_min3A_194 [1] : vector<512x16xf32> to vector<512xf32>
    %broadcast_in_dim3A_196 = vector.shape_cast %reduce_min3A_195 : vector<512xf32> to vector<512x1xf32>
    %eq3A_197 = vector.broadcast %broadcast_in_dim3A_188 : vector<512x1xf32> to vector<512x16xf32>
    %eq3A_198 = arith.cmpf oeq, %convert_element_type3A_177, %eq3A_197 : vector<512x16xf32>
    %jit3A_199 = arith.constant 0xFF800000 : f32
    %broadcast_in_dim3A_200 = vector.broadcast %jit3A_199 : f32 to vector<512x16xf32>
    %select_n3A_201 = arith.select %eq3A_198, %broadcast_in_dim3A_200, %concatenate3A : vector<512x16xi1>, vector<512x16xf32>
    %reduce_max3A_202 = arith.constant dense<0xFF800000> : vector<512xf32>
    %reduce_max3A_203 = vector.multi_reduction <maximumf>, %select_n3A_201, %reduce_max3A_202 [1] : vector<512x16xf32> to vector<512xf32>
    %broadcast_in_dim3A_204 = vector.shape_cast %reduce_max3A_203 : vector<512xf32> to vector<512x1xf32>
    %eq3A_205 = vector.broadcast %broadcast_in_dim3A_204 : vector<512x1xf32> to vector<512x16xf32>
    %eq3A_206 = arith.cmpf oeq, %select_n3A_201, %eq3A_205 : vector<512x16xf32>
    %jit3A_207 = arith.constant 1.600000e+01 : f32
    %broadcast_in_dim3A_208 = vector.broadcast %jit3A_207 : f32 to vector<512x16xf32>
    %select_n3A_209 = arith.select %eq3A_206, %convert_element_type3A_177, %broadcast_in_dim3A_208 : vector<512x16xi1>, vector<512x16xf32>
    %reduce_min3A_210 = arith.constant dense<0x7F800000> : vector<512xf32>
    %reduce_min3A_211 = vector.multi_reduction <minimumf>, %select_n3A_209, %reduce_min3A_210 [1] : vector<512x16xf32> to vector<512xf32>
    %broadcast_in_dim3A_212 = vector.shape_cast %reduce_min3A_211 : vector<512xf32> to vector<512x1xf32>
    %eq3A_213 = vector.broadcast %broadcast_in_dim3A_212 : vector<512x1xf32> to vector<512x16xf32>
    %eq3A_214 = arith.cmpf oeq, %convert_element_type3A_177, %eq3A_213 : vector<512x16xf32>
    %jit3A_215 = arith.constant 3.276800e+04 : f32
    %broadcast_in_dim3A_216 = vector.broadcast %jit3A_215 : f32 to vector<512x16xf32>
    %select_n3A_217 = arith.select %eq3A_214, %concatenate3A_175, %broadcast_in_dim3A_216 : vector<512x16xi1>, vector<512x16xf32>
    %reduce_min3A_218 = arith.constant dense<0x7F800000> : vector<512xf32>
    %reduce_min3A_219 = vector.multi_reduction <minimumf>, %select_n3A_217, %reduce_min3A_218 [1] : vector<512x16xf32> to vector<512xf32>
    %broadcast_in_dim3A_220 = vector.shape_cast %reduce_min3A_219 : vector<512xf32> to vector<512x1xf32>
    %eq3A_221 = vector.broadcast %broadcast_in_dim3A_212 : vector<512x1xf32> to vector<512x16xf32>
    %eq3A_222 = arith.cmpf oeq, %convert_element_type3A_177, %eq3A_221 : vector<512x16xf32>
    %jit3A_223 = arith.constant 0xFF800000 : f32
    %broadcast_in_dim3A_224 = vector.broadcast %jit3A_223 : f32 to vector<512x16xf32>
    %select_n3A_225 = arith.select %eq3A_222, %broadcast_in_dim3A_224, %select_n3A_201 : vector<512x16xi1>, vector<512x16xf32>
    %reduce_max3A_226 = arith.constant dense<0xFF800000> : vector<512xf32>
    %reduce_max3A_227 = vector.multi_reduction <maximumf>, %select_n3A_225, %reduce_max3A_226 [1] : vector<512x16xf32> to vector<512xf32>
    %broadcast_in_dim3A_228 = vector.shape_cast %reduce_max3A_227 : vector<512xf32> to vector<512x1xf32>
    %eq3A_229 = vector.broadcast %broadcast_in_dim3A_228 : vector<512x1xf32> to vector<512x16xf32>
    %eq3A_230 = arith.cmpf oeq, %select_n3A_225, %eq3A_229 : vector<512x16xf32>
    %jit3A_231 = arith.constant 1.600000e+01 : f32
    %broadcast_in_dim3A_232 = vector.broadcast %jit3A_231 : f32 to vector<512x16xf32>
    %select_n3A_233 = arith.select %eq3A_230, %convert_element_type3A_177, %broadcast_in_dim3A_232 : vector<512x16xi1>, vector<512x16xf32>
    %reduce_min3A_234 = arith.constant dense<0x7F800000> : vector<512xf32>
    %reduce_min3A_235 = vector.multi_reduction <minimumf>, %select_n3A_233, %reduce_min3A_234 [1] : vector<512x16xf32> to vector<512xf32>
    %broadcast_in_dim3A_236 = vector.shape_cast %reduce_min3A_235 : vector<512xf32> to vector<512x1xf32>
    %eq3A_237 = vector.broadcast %broadcast_in_dim3A_236 : vector<512x1xf32> to vector<512x16xf32>
    %eq3A_238 = arith.cmpf oeq, %convert_element_type3A_177, %eq3A_237 : vector<512x16xf32>
    %jit3A_239 = arith.constant 3.276800e+04 : f32
    %broadcast_in_dim3A_240 = vector.broadcast %jit3A_239 : f32 to vector<512x16xf32>
    %select_n3A_241 = arith.select %eq3A_238, %concatenate3A_175, %broadcast_in_dim3A_240 : vector<512x16xi1>, vector<512x16xf32>
    %reduce_min3A_242 = arith.constant dense<0x7F800000> : vector<512xf32>
    %reduce_min3A_243 = vector.multi_reduction <minimumf>, %select_n3A_241, %reduce_min3A_242 [1] : vector<512x16xf32> to vector<512xf32>
    %broadcast_in_dim3A_244 = vector.shape_cast %reduce_min3A_243 : vector<512xf32> to vector<512x1xf32>
    %eq3A_245 = vector.broadcast %broadcast_in_dim3A_236 : vector<512x1xf32> to vector<512x16xf32>
    %eq3A_246 = arith.cmpf oeq, %convert_element_type3A_177, %eq3A_245 : vector<512x16xf32>
    %jit3A_247 = arith.constant 0xFF800000 : f32
    %broadcast_in_dim3A_248 = vector.broadcast %jit3A_247 : f32 to vector<512x16xf32>
    %select_n3A_249 = arith.select %eq3A_246, %broadcast_in_dim3A_248, %select_n3A_225 : vector<512x16xi1>, vector<512x16xf32>
    %reduce_max3A_250 = arith.constant dense<0xFF800000> : vector<512xf32>
    %reduce_max3A_251 = vector.multi_reduction <maximumf>, %select_n3A_249, %reduce_max3A_250 [1] : vector<512x16xf32> to vector<512xf32>
    %broadcast_in_dim3A_252 = vector.shape_cast %reduce_max3A_251 : vector<512xf32> to vector<512x1xf32>
    %eq3A_253 = vector.broadcast %broadcast_in_dim3A_252 : vector<512x1xf32> to vector<512x16xf32>
    %eq3A_254 = arith.cmpf oeq, %select_n3A_249, %eq3A_253 : vector<512x16xf32>
    %jit3A_255 = arith.constant 1.600000e+01 : f32
    %broadcast_in_dim3A_256 = vector.broadcast %jit3A_255 : f32 to vector<512x16xf32>
    %select_n3A_257 = arith.select %eq3A_254, %convert_element_type3A_177, %broadcast_in_dim3A_256 : vector<512x16xi1>, vector<512x16xf32>
    %reduce_min3A_258 = arith.constant dense<0x7F800000> : vector<512xf32>
    %reduce_min3A_259 = vector.multi_reduction <minimumf>, %select_n3A_257, %reduce_min3A_258 [1] : vector<512x16xf32> to vector<512xf32>
    %broadcast_in_dim3A_260 = vector.shape_cast %reduce_min3A_259 : vector<512xf32> to vector<512x1xf32>
    %eq3A_261 = vector.broadcast %broadcast_in_dim3A_260 : vector<512x1xf32> to vector<512x16xf32>
    %eq3A_262 = arith.cmpf oeq, %convert_element_type3A_177, %eq3A_261 : vector<512x16xf32>
    %jit3A_263 = arith.constant 3.276800e+04 : f32
    %broadcast_in_dim3A_264 = vector.broadcast %jit3A_263 : f32 to vector<512x16xf32>
    %select_n3A_265 = arith.select %eq3A_262, %concatenate3A_175, %broadcast_in_dim3A_264 : vector<512x16xi1>, vector<512x16xf32>
    %reduce_min3A_266 = arith.constant dense<0x7F800000> : vector<512xf32>
    %reduce_min3A_267 = vector.multi_reduction <minimumf>, %select_n3A_265, %reduce_min3A_266 [1] : vector<512x16xf32> to vector<512xf32>
    %broadcast_in_dim3A_268 = vector.shape_cast %reduce_min3A_267 : vector<512xf32> to vector<512x1xf32>
    %eq3A_269 = vector.broadcast %broadcast_in_dim3A_260 : vector<512x1xf32> to vector<512x16xf32>
    %eq3A_270 = arith.cmpf oeq, %convert_element_type3A_177, %eq3A_269 : vector<512x16xf32>
    %jit3A_271 = arith.constant 0xFF800000 : f32
    %broadcast_in_dim3A_272 = vector.broadcast %jit3A_271 : f32 to vector<512x16xf32>
    %select_n3A_273 = arith.select %eq3A_270, %broadcast_in_dim3A_272, %select_n3A_249 : vector<512x16xi1>, vector<512x16xf32>
    %reduce_max3A_274 = arith.constant dense<0xFF800000> : vector<512xf32>
    %reduce_max3A_275 = vector.multi_reduction <maximumf>, %select_n3A_273, %reduce_max3A_274 [1] : vector<512x16xf32> to vector<512xf32>
    %broadcast_in_dim3A_276 = vector.shape_cast %reduce_max3A_275 : vector<512xf32> to vector<512x1xf32>
    %eq3A_277 = vector.broadcast %broadcast_in_dim3A_276 : vector<512x1xf32> to vector<512x16xf32>
    %eq3A_278 = arith.cmpf oeq, %select_n3A_273, %eq3A_277 : vector<512x16xf32>
    %jit3A_279 = arith.constant 1.600000e+01 : f32
    %broadcast_in_dim3A_280 = vector.broadcast %jit3A_279 : f32 to vector<512x16xf32>
    %select_n3A_281 = arith.select %eq3A_278, %convert_element_type3A_177, %broadcast_in_dim3A_280 : vector<512x16xi1>, vector<512x16xf32>
    %reduce_min3A_282 = arith.constant dense<0x7F800000> : vector<512xf32>
    %reduce_min3A_283 = vector.multi_reduction <minimumf>, %select_n3A_281, %reduce_min3A_282 [1] : vector<512x16xf32> to vector<512xf32>
    %broadcast_in_dim3A_284 = vector.shape_cast %reduce_min3A_283 : vector<512xf32> to vector<512x1xf32>
    %eq3A_285 = vector.broadcast %broadcast_in_dim3A_284 : vector<512x1xf32> to vector<512x16xf32>
    %eq3A_286 = arith.cmpf oeq, %convert_element_type3A_177, %eq3A_285 : vector<512x16xf32>
    %jit3A_287 = arith.constant 3.276800e+04 : f32
    %broadcast_in_dim3A_288 = vector.broadcast %jit3A_287 : f32 to vector<512x16xf32>
    %select_n3A_289 = arith.select %eq3A_286, %concatenate3A_175, %broadcast_in_dim3A_288 : vector<512x16xi1>, vector<512x16xf32>
    %reduce_min3A_290 = arith.constant dense<0x7F800000> : vector<512xf32>
    %reduce_min3A_291 = vector.multi_reduction <minimumf>, %select_n3A_289, %reduce_min3A_290 [1] : vector<512x16xf32> to vector<512xf32>
    %broadcast_in_dim3A_292 = vector.shape_cast %reduce_min3A_291 : vector<512xf32> to vector<512x1xf32>
    %eq3A_293 = vector.broadcast %broadcast_in_dim3A_284 : vector<512x1xf32> to vector<512x16xf32>
    %eq3A_294 = arith.cmpf oeq, %convert_element_type3A_177, %eq3A_293 : vector<512x16xf32>
    %jit3A_295 = arith.constant 0xFF800000 : f32
    %broadcast_in_dim3A_296 = vector.broadcast %jit3A_295 : f32 to vector<512x16xf32>
    %select_n3A_297 = arith.select %eq3A_294, %broadcast_in_dim3A_296, %select_n3A_273 : vector<512x16xi1>, vector<512x16xf32>
    %reduce_max3A_298 = arith.constant dense<0xFF800000> : vector<512xf32>
    %reduce_max3A_299 = vector.multi_reduction <maximumf>, %select_n3A_297, %reduce_max3A_298 [1] : vector<512x16xf32> to vector<512xf32>
    %broadcast_in_dim3A_300 = vector.shape_cast %reduce_max3A_299 : vector<512xf32> to vector<512x1xf32>
    %eq3A_301 = vector.broadcast %broadcast_in_dim3A_300 : vector<512x1xf32> to vector<512x16xf32>
    %eq3A_302 = arith.cmpf oeq, %select_n3A_297, %eq3A_301 : vector<512x16xf32>
    %jit3A_303 = arith.constant 1.600000e+01 : f32
    %broadcast_in_dim3A_304 = vector.broadcast %jit3A_303 : f32 to vector<512x16xf32>
    %select_n3A_305 = arith.select %eq3A_302, %convert_element_type3A_177, %broadcast_in_dim3A_304 : vector<512x16xi1>, vector<512x16xf32>
    %reduce_min3A_306 = arith.constant dense<0x7F800000> : vector<512xf32>
    %reduce_min3A_307 = vector.multi_reduction <minimumf>, %select_n3A_305, %reduce_min3A_306 [1] : vector<512x16xf32> to vector<512xf32>
    %broadcast_in_dim3A_308 = vector.shape_cast %reduce_min3A_307 : vector<512xf32> to vector<512x1xf32>
    %eq3A_309 = vector.broadcast %broadcast_in_dim3A_308 : vector<512x1xf32> to vector<512x16xf32>
    %eq3A_310 = arith.cmpf oeq, %convert_element_type3A_177, %eq3A_309 : vector<512x16xf32>
    %jit3A_311 = arith.constant 3.276800e+04 : f32
    %broadcast_in_dim3A_312 = vector.broadcast %jit3A_311 : f32 to vector<512x16xf32>
    %select_n3A_313 = arith.select %eq3A_310, %concatenate3A_175, %broadcast_in_dim3A_312 : vector<512x16xi1>, vector<512x16xf32>
    %reduce_min3A_314 = arith.constant dense<0x7F800000> : vector<512xf32>
    %reduce_min3A_315 = vector.multi_reduction <minimumf>, %select_n3A_313, %reduce_min3A_314 [1] : vector<512x16xf32> to vector<512xf32>
    %broadcast_in_dim3A_316 = vector.shape_cast %reduce_min3A_315 : vector<512xf32> to vector<512x1xf32>
    %eq3A_317 = vector.broadcast %broadcast_in_dim3A_308 : vector<512x1xf32> to vector<512x16xf32>
    %eq3A_318 = arith.cmpf oeq, %convert_element_type3A_177, %eq3A_317 : vector<512x16xf32>
    %jit3A_319 = arith.constant 0xFF800000 : f32
    %broadcast_in_dim3A_320 = vector.broadcast %jit3A_319 : f32 to vector<512x16xf32>
    %select_n3A_321 = arith.select %eq3A_318, %broadcast_in_dim3A_320, %select_n3A_297 : vector<512x16xi1>, vector<512x16xf32>
    %reduce_max3A_322 = arith.constant dense<0xFF800000> : vector<512xf32>
    %reduce_max3A_323 = vector.multi_reduction <maximumf>, %select_n3A_321, %reduce_max3A_322 [1] : vector<512x16xf32> to vector<512xf32>
    %broadcast_in_dim3A_324 = vector.shape_cast %reduce_max3A_323 : vector<512xf32> to vector<512x1xf32>
    %eq3A_325 = vector.broadcast %broadcast_in_dim3A_324 : vector<512x1xf32> to vector<512x16xf32>
    %eq3A_326 = arith.cmpf oeq, %select_n3A_321, %eq3A_325 : vector<512x16xf32>
    %jit3A_327 = arith.constant 1.600000e+01 : f32
    %broadcast_in_dim3A_328 = vector.broadcast %jit3A_327 : f32 to vector<512x16xf32>
    %select_n3A_329 = arith.select %eq3A_326, %convert_element_type3A_177, %broadcast_in_dim3A_328 : vector<512x16xi1>, vector<512x16xf32>
    %reduce_min3A_330 = arith.constant dense<0x7F800000> : vector<512xf32>
    %reduce_min3A_331 = vector.multi_reduction <minimumf>, %select_n3A_329, %reduce_min3A_330 [1] : vector<512x16xf32> to vector<512xf32>
    %broadcast_in_dim3A_332 = vector.shape_cast %reduce_min3A_331 : vector<512xf32> to vector<512x1xf32>
    %eq3A_333 = vector.broadcast %broadcast_in_dim3A_332 : vector<512x1xf32> to vector<512x16xf32>
    %eq3A_334 = arith.cmpf oeq, %convert_element_type3A_177, %eq3A_333 : vector<512x16xf32>
    %jit3A_335 = arith.constant 3.276800e+04 : f32
    %broadcast_in_dim3A_336 = vector.broadcast %jit3A_335 : f32 to vector<512x16xf32>
    %select_n3A_337 = arith.select %eq3A_334, %concatenate3A_175, %broadcast_in_dim3A_336 : vector<512x16xi1>, vector<512x16xf32>
    %reduce_min3A_338 = arith.constant dense<0x7F800000> : vector<512xf32>
    %reduce_min3A_339 = vector.multi_reduction <minimumf>, %select_n3A_337, %reduce_min3A_338 [1] : vector<512x16xf32> to vector<512xf32>
    %broadcast_in_dim3A_340 = vector.shape_cast %reduce_min3A_339 : vector<512xf32> to vector<512x1xf32>
    %eq3A_341 = vector.broadcast %broadcast_in_dim3A_332 : vector<512x1xf32> to vector<512x16xf32>
    %eq3A_342 = arith.cmpf oeq, %convert_element_type3A_177, %eq3A_341 : vector<512x16xf32>
    %jit3A_343 = arith.constant 0xFF800000 : f32
    %broadcast_in_dim3A_344 = vector.broadcast %jit3A_343 : f32 to vector<512x16xf32>
    %select_n3A_345 = arith.select %eq3A_342, %broadcast_in_dim3A_344, %select_n3A_321 : vector<512x16xi1>, vector<512x16xf32>
    %reduce_max3A_346 = arith.constant dense<0xFF800000> : vector<512xf32>
    %reduce_max3A_347 = vector.multi_reduction <maximumf>, %select_n3A_345, %reduce_max3A_346 [1] : vector<512x16xf32> to vector<512xf32>
    %broadcast_in_dim3A_348 = vector.shape_cast %reduce_max3A_347 : vector<512xf32> to vector<512x1xf32>
    %eq3A_349 = vector.broadcast %broadcast_in_dim3A_348 : vector<512x1xf32> to vector<512x16xf32>
    %eq3A_350 = arith.cmpf oeq, %select_n3A_345, %eq3A_349 : vector<512x16xf32>
    %jit3A_351 = arith.constant 1.600000e+01 : f32
    %broadcast_in_dim3A_352 = vector.broadcast %jit3A_351 : f32 to vector<512x16xf32>
    %select_n3A_353 = arith.select %eq3A_350, %convert_element_type3A_177, %broadcast_in_dim3A_352 : vector<512x16xi1>, vector<512x16xf32>
    %reduce_min3A_354 = arith.constant dense<0x7F800000> : vector<512xf32>
    %reduce_min3A_355 = vector.multi_reduction <minimumf>, %select_n3A_353, %reduce_min3A_354 [1] : vector<512x16xf32> to vector<512xf32>
    %broadcast_in_dim3A_356 = vector.shape_cast %reduce_min3A_355 : vector<512xf32> to vector<512x1xf32>
    %eq3A_357 = vector.broadcast %broadcast_in_dim3A_356 : vector<512x1xf32> to vector<512x16xf32>
    %eq3A_358 = arith.cmpf oeq, %convert_element_type3A_177, %eq3A_357 : vector<512x16xf32>
    %jit3A_359 = arith.constant 3.276800e+04 : f32
    %broadcast_in_dim3A_360 = vector.broadcast %jit3A_359 : f32 to vector<512x16xf32>
    %select_n3A_361 = arith.select %eq3A_358, %concatenate3A_175, %broadcast_in_dim3A_360 : vector<512x16xi1>, vector<512x16xf32>
    %reduce_min3A_362 = arith.constant dense<0x7F800000> : vector<512xf32>
    %reduce_min3A_363 = vector.multi_reduction <minimumf>, %select_n3A_361, %reduce_min3A_362 [1] : vector<512x16xf32> to vector<512xf32>
    %broadcast_in_dim3A_364 = vector.shape_cast %reduce_min3A_363 : vector<512xf32> to vector<512x1xf32>
    %concatenate3A_365 = tpu.concatenate %broadcast_in_dim3A_180, %broadcast_in_dim3A_204, %broadcast_in_dim3A_228, %broadcast_in_dim3A_252, %broadcast_in_dim3A_276, %broadcast_in_dim3A_300, %broadcast_in_dim3A_324, %broadcast_in_dim3A_348 in 1 : vector<512x1xf32>, vector<512x1xf32>, vector<512x1xf32>, vector<512x1xf32>, vector<512x1xf32>, vector<512x1xf32>, vector<512x1xf32>, vector<512x1xf32> -> vector<512x8xf32>
    %swap3A = arith.constant 0 : index
    %swap3A_366 = arith.constant 0 : index
    %swap3A_367 = vector.load %arg5[%swap3A, %swap3A_366] : memref<512x8xf32, #tpu.memory_space<vmem>>, vector<512x8xf32>
    tpu.vector_store %arg5[%swap3A, %swap3A_366], %concatenate3A_365 {strides = array<i32>} : memref<512x8xf32, #tpu.memory_space<vmem>>, vector<512x8xf32>,
    %concatenate3A_368 = tpu.concatenate %broadcast_in_dim3A_196, %broadcast_in_dim3A_220, %broadcast_in_dim3A_244, %broadcast_in_dim3A_268, %broadcast_in_dim3A_292, %broadcast_in_dim3A_316, %broadcast_in_dim3A_340, %broadcast_in_dim3A_364 in 1 : vector<512x1xf32>, vector<512x1xf32>, vector<512x1xf32>, vector<512x1xf32>, vector<512x1xf32>, vector<512x1xf32>, vector<512x1xf32>, vector<512x1xf32> -> vector<512x8xf32>
    %convert_element_type3A_369 = arith.fptosi %concatenate3A_368 : vector<512x8xf32> to vector<512x8xi32>
    %swap3A_370 = arith.constant 0 : index
    %swap3A_371 = arith.constant 0 : index
    %swap3A_372 = vector.load %arg6[%swap3A_370, %swap3A_371] : memref<512x8xi32, #tpu.memory_space<vmem>>, vector<512x8xi32>
    tpu.vector_store %arg6[%swap3A_370, %swap3A_371], %convert_element_type3A_369 {strides = array<i32>} : memref<512x8xi32, #tpu.memory_space<vmem>>, vector<512x8xi32>,
    return
  }
  func.func @transform_0(%arg0: i32, %arg1: i32) -> (i32, i32) {
    %c0_i32 = arith.constant 0 : i32
    %c0_i32_0 = arith.constant 0 : i32
    return %arg0, %c0_i32 : i32, i32
  }
  func.func @transform_1(%arg0: i32, %arg1: i32) -> (i32, i32) {
    %c0_i32 = arith.constant 0 : i32
    %c0_i32_0 = arith.constant 0 : i32
    %c0_i32_1 = arith.constant 0 : i32
    return %c0_i32, %c0_i32_0 : i32, i32
  }
  func.func @transform_2(%arg0: i32, %arg1: i32) -> (i32, i32) {
    %c0_i32 = arith.constant 0 : i32
    %c0_i32_0 = arith.constant 0 : i32
    return %arg1, %c0_i32 : i32, i32
  }
  func.func @transform_3(%arg0: i32, %arg1: i32) -> (i32, i32) {
    %c0_i32 = arith.constant 0 : i32
    %c0_i32_0 = arith.constant 0 : i32
    return %arg0, %c0_i32 : i32, i32
  }
  func.func @transform_4(%arg0: i32, %arg1: i32) -> (i32, i32) {
    %c0_i32 = arith.constant 0 : i32
    %c0_i32_0 = arith.constant 0 : i32
    return %arg0, %c0_i32 : i32, i32
  }
}

module attributes {stable_mosaic.version = 14 : i64} {
  func.func @_epilogue_kernel(%arg0: i32, %arg1: memref<512x128xf32, #tpu.memory_space<vmem>>, %arg2: memref<512x8xf32, #tpu.memory_space<vmem>>, %arg3: memref<512x8x128xf32, #tpu.memory_space<vmem>>, %arg4: memref<128x128xf32, #tpu.memory_space<vmem>>, %arg5: memref<64x256xf32, #tpu.memory_space<vmem>>, %arg6: memref<1x64xf32, #tpu.memory_space<vmem>>, %arg7: memref<128x64xf32, #tpu.memory_space<vmem>>, %arg8: memref<1x128xf32, #tpu.memory_space<vmem>>, %arg9: memref<512x128xf32, #tpu.memory_space<vmem>>) attributes {dimension_semantics = [#tpu.dimension_semantics<parallel>], iteration_bounds = array<i64: 4>, scalar_prefetch = 0 : i64, scratch_operands = 0 : i64, tpu.core_type = #tpu.core_type<tc>, window_params = [{transform_indices = @transform_0, window_bounds = array<i64: 512, 128>}, {transform_indices = @transform_1, window_bounds = array<i64: 512, 8>}, {transform_indices = @transform_2, window_bounds = array<i64: 512, 8, 128>}, {pipeline_mode = #tpu.pipeline_mode<synchronous>, transform_indices = @transform_3, window_bounds = array<i64: 128, 128>}, {pipeline_mode = #tpu.pipeline_mode<synchronous>, transform_indices = @transform_4, window_bounds = array<i64: 64, 256>}, {pipeline_mode = #tpu.pipeline_mode<synchronous>, transform_indices = @transform_5, window_bounds = array<i64: 1, 64>}, {pipeline_mode = #tpu.pipeline_mode<synchronous>, transform_indices = @transform_6, window_bounds = array<i64: 128, 64>}, {pipeline_mode = #tpu.pipeline_mode<synchronous>, transform_indices = @transform_7, window_bounds = array<i64: 1, 128>}, {transform_indices = @transform_8, window_bounds = array<i64: 512, 128>}]} {
    %get3A = arith.constant 0 : index
    %get3A_0 = arith.constant 0 : index
    %get3A_1 = vector.load %arg2[%get3A, %get3A_0] : memref<512x8xf32, #tpu.memory_space<vmem>>, vector<512x8xf32>
    %reduce_max3A = arith.constant dense<0xFF800000> : vector<512xf32>
    %reduce_max3A_2 = vector.multi_reduction <maximumf>, %get3A_1, %reduce_max3A [1] : vector<512x8xf32> to vector<512xf32>
    %broadcast_in_dim3A = vector.shape_cast %reduce_max3A_2 : vector<512xf32> to vector<512x1xf32>
    %sub3A = vector.broadcast %broadcast_in_dim3A : vector<512x1xf32> to vector<512x8xf32>
    %sub3A_3 = arith.subf %get3A_1, %sub3A : vector<512x8xf32>
    %exp3A = math.exp %sub3A_3 : vector<512x8xf32>
    %reduce_sum3A = arith.constant dense<0.000000e+00> : vector<512xf32>
    %reduce_sum3A_4 = vector.multi_reduction <add>, %exp3A, %reduce_sum3A [1] : vector<512x8xf32> to vector<512xf32>
    %broadcast_in_dim3A_5 = vector.shape_cast %reduce_sum3A_4 : vector<512xf32> to vector<512x1xf32>
    %div3A = vector.broadcast %broadcast_in_dim3A_5 : vector<512x1xf32> to vector<512x8xf32>
    %div3A_6 = arith.divf %exp3A, %div3A : vector<512x8xf32>
    %iota3A = tpu.iota {dimensions = array<i32: 0>} : vector<8x128xi32>
    %get3A_7 = arith.constant 0 : index
    %get3A_8 = arith.constant 0 : index
    %get3A_9 = arith.constant 0 : index
    %get3A_10 = vector.load %arg3[%get3A_7, %get3A_8, %get3A_9] : memref<512x8x128xf32, #tpu.memory_space<vmem>>, vector<512x8x128xf32>
    %broadcast_in_dim3A_11 = arith.constant 0.000000e+00 : f32
    %broadcast_in_dim3A_12 = vector.broadcast %broadcast_in_dim3A_11 : f32 to vector<512x128xf32>
    %eq3A = arith.constant 0 : i32
    %eq3A_13 = vector.broadcast %eq3A : i32 to vector<8x128xi32>
    %eq3A_14 = arith.cmpi eq, %iota3A, %eq3A_13 : vector<8x128xi32>
    %jit3A = arith.constant 1.000000e+00 : f32
    %jit3A_15 = arith.constant 0.000000e+00 : f32
    %broadcast_in_dim3A_16 = vector.broadcast %jit3A : f32 to vector<8x128xf32>
    %broadcast_in_dim3A_17 = vector.broadcast %jit3A_15 : f32 to vector<8x128xf32>
    %select_n3A = arith.select %eq3A_14, %broadcast_in_dim3A_16, %broadcast_in_dim3A_17 : vector<8x128xi1>, vector<8x128xf32>
    %dot_general3A = arith.constant dense<0.000000e+00> : vector<512x128xf32>
    %dot_general3A_18 = tpu.matmul %div3A_6, %select_n3A, %dot_general3A {dimension_numbers = #tpu.dot_dimension_numbers<[1], [0], [0], [1], [0, 0, 1, 1], [], []>, transpose_lhs_hint = false} : vector<512x8xf32>, vector<8x128xf32>, vector<512x128xf32> -> vector<512x128xf32>
    %slice3A = vector.extract_strided_slice %get3A_10 {offsets = [0, 0, 0], sizes = [512, 1, 128], strides = [1, 1, 1]} : vector<512x8x128xf32> to vector<512x1x128xf32>
    %squeeze3A = vector.shape_cast %slice3A : vector<512x1x128xf32> to vector<512x128xf32>
    %mul3A = arith.mulf %dot_general3A_18, %squeeze3A : vector<512x128xf32>
    %add3A = arith.addf %broadcast_in_dim3A_12, %mul3A : vector<512x128xf32>
    %eq3A_19 = arith.constant 1 : i32
    %eq3A_20 = vector.broadcast %eq3A_19 : i32 to vector<8x128xi32>
    %eq3A_21 = arith.cmpi eq, %iota3A, %eq3A_20 : vector<8x128xi32>
    %jit3A_22 = arith.constant 1.000000e+00 : f32
    %jit3A_23 = arith.constant 0.000000e+00 : f32
    %broadcast_in_dim3A_24 = vector.broadcast %jit3A_22 : f32 to vector<8x128xf32>
    %broadcast_in_dim3A_25 = vector.broadcast %jit3A_23 : f32 to vector<8x128xf32>
    %select_n3A_26 = arith.select %eq3A_21, %broadcast_in_dim3A_24, %broadcast_in_dim3A_25 : vector<8x128xi1>, vector<8x128xf32>
    %dot_general3A_27 = arith.constant dense<0.000000e+00> : vector<512x128xf32>
    %dot_general3A_28 = tpu.matmul %div3A_6, %select_n3A_26, %dot_general3A_27 {dimension_numbers = #tpu.dot_dimension_numbers<[1], [0], [0], [1], [0, 0, 1, 1], [], []>, transpose_lhs_hint = false} : vector<512x8xf32>, vector<8x128xf32>, vector<512x128xf32> -> vector<512x128xf32>
    %slice3A_29 = vector.extract_strided_slice %get3A_10 {offsets = [0, 1, 0], sizes = [512, 1, 128], strides = [1, 1, 1]} : vector<512x8x128xf32> to vector<512x1x128xf32>
    %squeeze3A_30 = vector.shape_cast %slice3A_29 : vector<512x1x128xf32> to vector<512x128xf32>
    %mul3A_31 = arith.mulf %dot_general3A_28, %squeeze3A_30 : vector<512x128xf32>
    %add3A_32 = arith.addf %add3A, %mul3A_31 : vector<512x128xf32>
    %eq3A_33 = arith.constant 2 : i32
    %eq3A_34 = vector.broadcast %eq3A_33 : i32 to vector<8x128xi32>
    %eq3A_35 = arith.cmpi eq, %iota3A, %eq3A_34 : vector<8x128xi32>
    %jit3A_36 = arith.constant 1.000000e+00 : f32
    %jit3A_37 = arith.constant 0.000000e+00 : f32
    %broadcast_in_dim3A_38 = vector.broadcast %jit3A_36 : f32 to vector<8x128xf32>
    %broadcast_in_dim3A_39 = vector.broadcast %jit3A_37 : f32 to vector<8x128xf32>
    %select_n3A_40 = arith.select %eq3A_35, %broadcast_in_dim3A_38, %broadcast_in_dim3A_39 : vector<8x128xi1>, vector<8x128xf32>
    %dot_general3A_41 = arith.constant dense<0.000000e+00> : vector<512x128xf32>
    %dot_general3A_42 = tpu.matmul %div3A_6, %select_n3A_40, %dot_general3A_41 {dimension_numbers = #tpu.dot_dimension_numbers<[1], [0], [0], [1], [0, 0, 1, 1], [], []>, transpose_lhs_hint = false} : vector<512x8xf32>, vector<8x128xf32>, vector<512x128xf32> -> vector<512x128xf32>
    %slice3A_43 = vector.extract_strided_slice %get3A_10 {offsets = [0, 2, 0], sizes = [512, 1, 128], strides = [1, 1, 1]} : vector<512x8x128xf32> to vector<512x1x128xf32>
    %squeeze3A_44 = vector.shape_cast %slice3A_43 : vector<512x1x128xf32> to vector<512x128xf32>
    %mul3A_45 = arith.mulf %dot_general3A_42, %squeeze3A_44 : vector<512x128xf32>
    %add3A_46 = arith.addf %add3A_32, %mul3A_45 : vector<512x128xf32>
    %eq3A_47 = arith.constant 3 : i32
    %eq3A_48 = vector.broadcast %eq3A_47 : i32 to vector<8x128xi32>
    %eq3A_49 = arith.cmpi eq, %iota3A, %eq3A_48 : vector<8x128xi32>
    %jit3A_50 = arith.constant 1.000000e+00 : f32
    %jit3A_51 = arith.constant 0.000000e+00 : f32
    %broadcast_in_dim3A_52 = vector.broadcast %jit3A_50 : f32 to vector<8x128xf32>
    %broadcast_in_dim3A_53 = vector.broadcast %jit3A_51 : f32 to vector<8x128xf32>
    %select_n3A_54 = arith.select %eq3A_49, %broadcast_in_dim3A_52, %broadcast_in_dim3A_53 : vector<8x128xi1>, vector<8x128xf32>
    %dot_general3A_55 = arith.constant dense<0.000000e+00> : vector<512x128xf32>
    %dot_general3A_56 = tpu.matmul %div3A_6, %select_n3A_54, %dot_general3A_55 {dimension_numbers = #tpu.dot_dimension_numbers<[1], [0], [0], [1], [0, 0, 1, 1], [], []>, transpose_lhs_hint = false} : vector<512x8xf32>, vector<8x128xf32>, vector<512x128xf32> -> vector<512x128xf32>
    %slice3A_57 = vector.extract_strided_slice %get3A_10 {offsets = [0, 3, 0], sizes = [512, 1, 128], strides = [1, 1, 1]} : vector<512x8x128xf32> to vector<512x1x128xf32>
    %squeeze3A_58 = vector.shape_cast %slice3A_57 : vector<512x1x128xf32> to vector<512x128xf32>
    %mul3A_59 = arith.mulf %dot_general3A_56, %squeeze3A_58 : vector<512x128xf32>
    %add3A_60 = arith.addf %add3A_46, %mul3A_59 : vector<512x128xf32>
    %eq3A_61 = arith.constant 4 : i32
    %eq3A_62 = vector.broadcast %eq3A_61 : i32 to vector<8x128xi32>
    %eq3A_63 = arith.cmpi eq, %iota3A, %eq3A_62 : vector<8x128xi32>
    %jit3A_64 = arith.constant 1.000000e+00 : f32
    %jit3A_65 = arith.constant 0.000000e+00 : f32
    %broadcast_in_dim3A_66 = vector.broadcast %jit3A_64 : f32 to vector<8x128xf32>
    %broadcast_in_dim3A_67 = vector.broadcast %jit3A_65 : f32 to vector<8x128xf32>
    %select_n3A_68 = arith.select %eq3A_63, %broadcast_in_dim3A_66, %broadcast_in_dim3A_67 : vector<8x128xi1>, vector<8x128xf32>
    %dot_general3A_69 = arith.constant dense<0.000000e+00> : vector<512x128xf32>
    %dot_general3A_70 = tpu.matmul %div3A_6, %select_n3A_68, %dot_general3A_69 {dimension_numbers = #tpu.dot_dimension_numbers<[1], [0], [0], [1], [0, 0, 1, 1], [], []>, transpose_lhs_hint = false} : vector<512x8xf32>, vector<8x128xf32>, vector<512x128xf32> -> vector<512x128xf32>
    %slice3A_71 = vector.extract_strided_slice %get3A_10 {offsets = [0, 4, 0], sizes = [512, 1, 128], strides = [1, 1, 1]} : vector<512x8x128xf32> to vector<512x1x128xf32>
    %squeeze3A_72 = vector.shape_cast %slice3A_71 : vector<512x1x128xf32> to vector<512x128xf32>
    %mul3A_73 = arith.mulf %dot_general3A_70, %squeeze3A_72 : vector<512x128xf32>
    %add3A_74 = arith.addf %add3A_60, %mul3A_73 : vector<512x128xf32>
    %eq3A_75 = arith.constant 5 : i32
    %eq3A_76 = vector.broadcast %eq3A_75 : i32 to vector<8x128xi32>
    %eq3A_77 = arith.cmpi eq, %iota3A, %eq3A_76 : vector<8x128xi32>
    %jit3A_78 = arith.constant 1.000000e+00 : f32
    %jit3A_79 = arith.constant 0.000000e+00 : f32
    %broadcast_in_dim3A_80 = vector.broadcast %jit3A_78 : f32 to vector<8x128xf32>
    %broadcast_in_dim3A_81 = vector.broadcast %jit3A_79 : f32 to vector<8x128xf32>
    %select_n3A_82 = arith.select %eq3A_77, %broadcast_in_dim3A_80, %broadcast_in_dim3A_81 : vector<8x128xi1>, vector<8x128xf32>
    %dot_general3A_83 = arith.constant dense<0.000000e+00> : vector<512x128xf32>
    %dot_general3A_84 = tpu.matmul %div3A_6, %select_n3A_82, %dot_general3A_83 {dimension_numbers = #tpu.dot_dimension_numbers<[1], [0], [0], [1], [0, 0, 1, 1], [], []>, transpose_lhs_hint = false} : vector<512x8xf32>, vector<8x128xf32>, vector<512x128xf32> -> vector<512x128xf32>
    %slice3A_85 = vector.extract_strided_slice %get3A_10 {offsets = [0, 5, 0], sizes = [512, 1, 128], strides = [1, 1, 1]} : vector<512x8x128xf32> to vector<512x1x128xf32>
    %squeeze3A_86 = vector.shape_cast %slice3A_85 : vector<512x1x128xf32> to vector<512x128xf32>
    %mul3A_87 = arith.mulf %dot_general3A_84, %squeeze3A_86 : vector<512x128xf32>
    %add3A_88 = arith.addf %add3A_74, %mul3A_87 : vector<512x128xf32>
    %eq3A_89 = arith.constant 6 : i32
    %eq3A_90 = vector.broadcast %eq3A_89 : i32 to vector<8x128xi32>
    %eq3A_91 = arith.cmpi eq, %iota3A, %eq3A_90 : vector<8x128xi32>
    %jit3A_92 = arith.constant 1.000000e+00 : f32
    %jit3A_93 = arith.constant 0.000000e+00 : f32
    %broadcast_in_dim3A_94 = vector.broadcast %jit3A_92 : f32 to vector<8x128xf32>
    %broadcast_in_dim3A_95 = vector.broadcast %jit3A_93 : f32 to vector<8x128xf32>
    %select_n3A_96 = arith.select %eq3A_91, %broadcast_in_dim3A_94, %broadcast_in_dim3A_95 : vector<8x128xi1>, vector<8x128xf32>
    %dot_general3A_97 = arith.constant dense<0.000000e+00> : vector<512x128xf32>
    %dot_general3A_98 = tpu.matmul %div3A_6, %select_n3A_96, %dot_general3A_97 {dimension_numbers = #tpu.dot_dimension_numbers<[1], [0], [0], [1], [0, 0, 1, 1], [], []>, transpose_lhs_hint = false} : vector<512x8xf32>, vector<8x128xf32>, vector<512x128xf32> -> vector<512x128xf32>
    %slice3A_99 = vector.extract_strided_slice %get3A_10 {offsets = [0, 6, 0], sizes = [512, 1, 128], strides = [1, 1, 1]} : vector<512x8x128xf32> to vector<512x1x128xf32>
    %squeeze3A_100 = vector.shape_cast %slice3A_99 : vector<512x1x128xf32> to vector<512x128xf32>
    %mul3A_101 = arith.mulf %dot_general3A_98, %squeeze3A_100 : vector<512x128xf32>
    %add3A_102 = arith.addf %add3A_88, %mul3A_101 : vector<512x128xf32>
    %eq3A_103 = arith.constant 7 : i32
    %eq3A_104 = vector.broadcast %eq3A_103 : i32 to vector<8x128xi32>
    %eq3A_105 = arith.cmpi eq, %iota3A, %eq3A_104 : vector<8x128xi32>
    %jit3A_106 = arith.constant 1.000000e+00 : f32
    %jit3A_107 = arith.constant 0.000000e+00 : f32
    %broadcast_in_dim3A_108 = vector.broadcast %jit3A_106 : f32 to vector<8x128xf32>
    %broadcast_in_dim3A_109 = vector.broadcast %jit3A_107 : f32 to vector<8x128xf32>
    %select_n3A_110 = arith.select %eq3A_105, %broadcast_in_dim3A_108, %broadcast_in_dim3A_109 : vector<8x128xi1>, vector<8x128xf32>
    %dot_general3A_111 = arith.constant dense<0.000000e+00> : vector<512x128xf32>
    %dot_general3A_112 = tpu.matmul %div3A_6, %select_n3A_110, %dot_general3A_111 {dimension_numbers = #tpu.dot_dimension_numbers<[1], [0], [0], [1], [0, 0, 1, 1], [], []>, transpose_lhs_hint = false} : vector<512x8xf32>, vector<8x128xf32>, vector<512x128xf32> -> vector<512x128xf32>
    %slice3A_113 = vector.extract_strided_slice %get3A_10 {offsets = [0, 7, 0], sizes = [512, 1, 128], strides = [1, 1, 1]} : vector<512x8x128xf32> to vector<512x1x128xf32>
    %squeeze3A_114 = vector.shape_cast %slice3A_113 : vector<512x1x128xf32> to vector<512x128xf32>
    %mul3A_115 = arith.mulf %dot_general3A_112, %squeeze3A_114 : vector<512x128xf32>
    %add3A_116 = arith.addf %add3A_102, %mul3A_115 : vector<512x128xf32>
    %get3A_117 = arith.constant 0 : index
    %get3A_118 = arith.constant 0 : index
    %get3A_119 = vector.load %arg4[%get3A_117, %get3A_118] : memref<128x128xf32, #tpu.memory_space<vmem>>, vector<128x128xf32>
    %transpose3A = tpu.transpose %get3A_119, [1, 0] : vector<128x128xf32> -> vector<128x128xf32>
    %dot_general3A_120 = arith.constant dense<0.000000e+00> : vector<512x128xf32>
    %dot_general3A_121 = tpu.matmul %add3A_116, %transpose3A, %dot_general3A_120 {dimension_numbers = #tpu.dot_dimension_numbers<[1], [0], [0], [1], [0, 0, 1, 1], [], []>, transpose_lhs_hint = false} : vector<512x128xf32>, vector<128x128xf32>, vector<512x128xf32> -> vector<512x128xf32>
    %get3A_122 = arith.constant 0 : index
    %get3A_123 = arith.constant 0 : index
    %get3A_124 = vector.load %arg1[%get3A_122, %get3A_123] : memref<512x128xf32, #tpu.memory_space<vmem>>, vector<512x128xf32>
    %concatenate3A = tpu.concatenate %get3A_124, %dot_general3A_121 in 1 : vector<512x128xf32>, vector<512x128xf32> -> vector<512x256xf32>
    %get3A_125 = arith.constant 0 : index
    %get3A_126 = arith.constant 0 : index
    %get3A_127 = vector.load %arg5[%get3A_125, %get3A_126] : memref<64x256xf32, #tpu.memory_space<vmem>>, vector<64x256xf32>
    %transpose3A_128 = tpu.transpose %get3A_127, [1, 0] : vector<64x256xf32> -> vector<256x64xf32>
    %dot_general3A_129 = arith.constant dense<0.000000e+00> : vector<512x64xf32>
    %dot_general3A_130 = tpu.matmul %concatenate3A, %transpose3A_128, %dot_general3A_129 {dimension_numbers = #tpu.dot_dimension_numbers<[1], [0], [0], [1], [0, 0, 1, 1], [], []>, transpose_lhs_hint = false} : vector<512x256xf32>, vector<256x64xf32>, vector<512x64xf32> -> vector<512x64xf32>
    %get3A_131 = arith.constant 0 : index
    %get3A_132 = arith.constant 0 : index
    %get3A_133 = vector.load %arg6[%get3A_131, %get3A_132] : memref<1x64xf32, #tpu.memory_space<vmem>>, vector<1x64xf32>
    %add3A_134 = vector.broadcast %get3A_133 : vector<1x64xf32> to vector<512x64xf32>
    %add3A_135 = arith.addf %dot_general3A_130, %add3A_134 : vector<512x64xf32>
    %mul3A_136 = arith.constant 5.000000e-01 : f32
    %mul3A_137 = vector.broadcast %mul3A_136 : f32 to vector<512x64xf32>
    %mul3A_138 = arith.mulf %mul3A_137, %add3A_135 : vector<512x64xf32>
    %mul3A_139 = arith.constant 0.707106769 : f32
    %mul3A_140 = vector.broadcast %mul3A_139 : f32 to vector<512x64xf32>
    %mul3A_141 = arith.mulf %add3A_135, %mul3A_140 : vector<512x64xf32>
    %erf3A = math.erf %mul3A_141 : vector<512x64xf32>
    %add3A_142 = arith.constant 1.000000e+00 : f32
    %add3A_143 = vector.broadcast %add3A_142 : f32 to vector<512x64xf32>
    %add3A_144 = arith.addf %add3A_143, %erf3A : vector<512x64xf32>
    %mul3A_145 = arith.mulf %mul3A_138, %add3A_144 : vector<512x64xf32>
    %get3A_146 = arith.constant 0 : index
    %get3A_147 = arith.constant 0 : index
    %get3A_148 = vector.load %arg7[%get3A_146, %get3A_147] : memref<128x64xf32, #tpu.memory_space<vmem>>, vector<128x64xf32>
    %transpose3A_149 = tpu.transpose %get3A_148, [1, 0] : vector<128x64xf32> -> vector<64x128xf32>
    %dot_general3A_150 = arith.constant dense<0.000000e+00> : vector<512x128xf32>
    %dot_general3A_151 = tpu.matmul %mul3A_145, %transpose3A_149, %dot_general3A_150 {dimension_numbers = #tpu.dot_dimension_numbers<[1], [0], [0], [1], [0, 0, 1, 1], [], []>, transpose_lhs_hint = false} : vector<512x64xf32>, vector<64x128xf32>, vector<512x128xf32> -> vector<512x128xf32>
    %get3A_152 = arith.constant 0 : index
    %get3A_153 = arith.constant 0 : index
    %get3A_154 = vector.load %arg8[%get3A_152, %get3A_153] : memref<1x128xf32, #tpu.memory_space<vmem>>, vector<1x128xf32>
    %add3A_155 = vector.broadcast %get3A_154 : vector<1x128xf32> to vector<512x128xf32>
    %add3A_156 = arith.addf %dot_general3A_151, %add3A_155 : vector<512x128xf32>
    %logistic3A = arith.negf %add3A_156 : vector<512x128xf32>
    %logistic3A_157 = math.exp %logistic3A : vector<512x128xf32>
    %logistic3A_158 = arith.constant 1.000000e+00 : f32
    %logistic3A_159 = vector.broadcast %logistic3A_158 : f32 to vector<512x128xf32>
    %logistic3A_160 = arith.addf %logistic3A_159, %logistic3A_157 : vector<512x128xf32>
    %logistic3A_161 = arith.divf %logistic3A_159, %logistic3A_160 : vector<512x128xf32>
    %mul3A_162 = arith.mulf %logistic3A_161, %dot_general3A_121 : vector<512x128xf32>
    %add3A_163 = arith.addf %get3A_124, %mul3A_162 : vector<512x128xf32>
    %swap3A = arith.constant 0 : index
    %swap3A_164 = arith.constant 0 : index
    %swap3A_165 = vector.load %arg9[%swap3A, %swap3A_164] : memref<512x128xf32, #tpu.memory_space<vmem>>, vector<512x128xf32>
    tpu.vector_store %arg9[%swap3A, %swap3A_164], %add3A_163 {strides = array<i32>} : memref<512x128xf32, #tpu.memory_space<vmem>>, vector<512x128xf32>,
    return
  }
  func.func @transform_0(%arg0: i32) -> (i32, i32) {
    %c0_i32 = arith.constant 0 : i32
    %c0_i32_0 = arith.constant 0 : i32
    return %arg0, %c0_i32 : i32, i32
  }
  func.func @transform_1(%arg0: i32) -> (i32, i32) {
    %c0_i32 = arith.constant 0 : i32
    %c0_i32_0 = arith.constant 0 : i32
    return %arg0, %c0_i32 : i32, i32
  }
  func.func @transform_2(%arg0: i32) -> (i32, i32, i32) {
    %c0_i32 = arith.constant 0 : i32
    %c0_i32_0 = arith.constant 0 : i32
    %c0_i32_1 = arith.constant 0 : i32
    return %arg0, %c0_i32, %c0_i32_0 : i32, i32, i32
  }
  func.func @transform_3(%arg0: i32) -> (i32, i32) {
    %c0_i32 = arith.constant 0 : i32
    %c0_i32_0 = arith.constant 0 : i32
    %c0_i32_1 = arith.constant 0 : i32
    return %c0_i32, %c0_i32_0 : i32, i32
  }
  func.func @transform_4(%arg0: i32) -> (i32, i32) {
    %c0_i32 = arith.constant 0 : i32
    %c0_i32_0 = arith.constant 0 : i32
    %c0_i32_1 = arith.constant 0 : i32
    return %c0_i32, %c0_i32_0 : i32, i32
  }
  func.func @transform_5(%arg0: i32) -> (i32, i32) {
    %c0_i32 = arith.constant 0 : i32
    %c0_i32_0 = arith.constant 0 : i32
    %c0_i32_1 = arith.constant 0 : i32
    return %c0_i32, %c0_i32_0 : i32, i32
  }
  func.func @transform_6(%arg0: i32) -> (i32, i32) {
    %c0_i32 = arith.constant 0 : i32
    %c0_i32_0 = arith.constant 0 : i32
    %c0_i32_1 = arith.constant 0 : i32
    return %c0_i32, %c0_i32_0 : i32, i32
  }
  func.func @transform_7(%arg0: i32) -> (i32, i32) {
    %c0_i32 = arith.constant 0 : i32
    %c0_i32_0 = arith.constant 0 : i32
    %c0_i32_1 = arith.constant 0 : i32
    return %c0_i32, %c0_i32_0 : i32, i32
  }
  func.func @transform_8(%arg0: i32) -> (i32, i32) {
    %c0_i32 = arith.constant 0 : i32
    %c0_i32_0 = arith.constant 0 : i32
    return %arg0, %c0_i32 : i32, i32
  }
}

</mosaic_0001>

<sc_bundles>
// kernel: kernel.5.cloned.1.call-start
scs
__scs_entry_jumppad:
0x0: {  	(pc) =	sbr.rel $0x88, $3  }
0x1: {  	(tag) =	ssettag $0x0;
	lr =	simm.s32 $0x1  }
0x2: {  	[smem:$0x3F98] =	sst lr;
	_ =	strace $0xD0000000  }
0x3: {  	_ = 	snop  }
0x4: {  	_ = 	snop  }
0x5: {  	_ = 	snop  }
0x6: {  	_ = 	snop  }
0x7: {  	_ = 	snop  }
__scs_overlays_trampoline_lowered:
0x8: {  	[smem:$0x3FA7] =	sst s0  }
0x9: {  	[smem:$0x3FA8] =	sst s1  }
0xa: {  	[smem:$0x3FA9] =	sst s2  }
0xb: {  	[smem:$0x3FAA] =	sst s3  }
0xc: {  	[smem:$0x3FAB] =	sst s4  }
0xd: {  	[smem:$0x3FAC] =	sst s5  }
0xe: {  	[smem:$0x3FAD] =	sst s6  }
0xf: {  	[smem:$0x3FAE] =	sst s7  }
0x10: {  	[smem:$0x3FAF] =	sst s8  }
0x11: {  	[smem:$0x3FB0] =	sst s9;
	s0 =	simm.s32 @!p0 $0x0  }
0x12: {  	s1 =	sld [smem:$0x3F96];
	s0 =	simm.s32 @p0 $0x1  }
0x13: {  	[smem:$0x3FB1] =	sst s0;
	s0 =	simm.s32 @!p1 $0x0  }
0x14: {  	s2 =	sld [smem:$0x3F95];
	s0 =	simm.s32 @p1 $0x1  }
0x15: {  	[smem:$0x3FB2] =	sst s0;
	s0 =	simm.s32 @!p2 $0x0  }
0x16: {  	s3 =	sld [smem:$0x3FDB];
	s0 =	simm.s32 @p2 $0x1  }
0x17: {  	s4 =	simm.s32 $0x1BF5;
	[smem:$0x3FB4] =	sst s0  }
0x18: {  	s0 =	sld [smem:$0x3F97];
	_ =	swait.ge [sflag:s4], $0x0  }
0x19: {  	s7 =	sld [smem:$0x3F98]  }
0x1a: {  	s8 =	sadd.s32 $0xFFFFE003, lr  }
0x1b: {  	s9 =	sadd.s32 $0xFFFFFEF7, lr;
	s5 =	simm.s32 $0xFFFFFFFF;
	p2 =	slt.u32 s8, $0xFFFFF086  }
0x1c: {  	p1 =	slt.u32 s9, $0xF7A;
	s5 =	simm.s32 @!p2 $0x0  }
0x1d: {  	s5 =	simm.s32 @p1 $0x1;
	p0 =	seq.s32 s7, s2  }
0x1e: {  	s7 =	smul.u32 @!p0 $0xF7A, s2;
	p2 =	seq.s32 @!p0 s5, $0x0  }
0x1f: {  	s9 =	smul.u32 $0xF7A, s1;
	s8 =	simm.s32 @!p0 $0x1BF5;
	p2 =	por !p2, p0  }
0x20: {  	[sflag:s8] =	ssyncset.s32 @!p0 $0xFFFFF086;
	s6 =	sadd.s32 @!p0 s3, s7;
	s7 =	simm.s32 @!p0 $0x108  }
0x21: {  	s3 =	sadd.s32 s3, s9;
	s6 =	sadd.s32 @!p0 $0x88, s6;
	s7 =	simm.s32 @p2 $0x1082  }
0x22: {  	[simem:s7], [sflag:s8] =	dma.local @!p0 [hbm:s6], $0xF7A  }
0x23: {  	s9 =	sor.u32 $0xD0000000, s2;
	s6 =	simm.s32 $0x108;
	_ =	swait.ge @!p0 [sflag:s8], $0x0  }
0x24: {  	s3 =	sadd.s32 $0x88, s3;
	s6 =	simm.s32 @!p1 $0x1082;
	[sflag:s4] =	ssyncset.s32 $0xFFFFF086  }
0x25: {  	[simem:s6], [sflag:s4] =	dma.local [hbm:s3], $0xF7A  }
0x26: {  	[smem:$0x3F98] =	sst s1;
	(tag) =	ssettag s2;
	_ =	strace s9  }
0x27: {  	s1 =	sld [smem:$0x3FA8]  }
0x28: {  	s2 =	sld [smem:$0x3FA9]  }
0x29: {  	s4 =	sld [smem:$0x3FAB]  }
0x2a: {  	p0 =	seq.s32 s5, $0x0;
	s5 =	sld [smem:$0x3FAC]  }
0x2b: {  	s6 =	sld [smem:$0x3FAD]  }
0x2c: {  	s7 =	sld [smem:$0x3FAE]  }
0x2d: {  	s3 =	simm.s32 $0x108;
	s8 =	sld [smem:$0x3FAF]  }
0x2e: {  	s3 =	simm.s32 @!p0 $0x1082;
	s9 =	sld [smem:$0x3FB0]  }
0x2f: {  	lr =	sadd.s32 s0, s3;
	s0 =	sld [smem:$0x3FA7]  }
0x30: {  	s3 =	sld [smem:$0x3FAA]  }
0x31: {  	[smem:$0x3FB3] =	sst s10  }
0x32: {  	s10 =	sld [smem:$0x3FB1];
	_ =	sdelay $0x3  }
0x33: {  	p0 =	seq.s32 s10, $0x1;
	s10 =	sld [smem:$0x3FB3];
	_ =	sdelay $0x3  }
0x34: {  	[smem:$0x3FB3] =	sst s10  }
0x35: {  	s10 =	sld [smem:$0x3FB2];
	_ =	sdelay $0x3  }
0x36: {  	p1 =	seq.s32 s10, $0x1;
	s10 =	sld [smem:$0x3FB3];
	_ =	sdelay $0x3  }
0x37: {  	[smem:$0x3FB3] =	sst s10  }
0x38: {  	s10 =	sld [smem:$0x3FB4]  }
0x39: {  	_ = 	snop;
	(pc) =	sbr.ind lr, $3  }
0x3a: {  	_ = 	snop  }
0x3b: {  	_ = 	snop  }
0x3c: {  	p2 =	seq.s32 s10, $0x1;
	s10 =	sld [smem:$0x3FB3]  }
0x3d: {  	_ =	shalt  }
0x3e: {  	_ =	shalt  }
0x3f: {  	_ =	shalt  }
0x40: {  	_ =	shalt  }
0x41: {  	_ =	shalt  }
0x42: {  	_ =	shalt  }
0x43: {  	_ =	shalt  }
0x44: {  	_ =	shalt  }
0x45: {  	_ =	shalt  }
0x46: {  	_ =	shalt  }
0x47: {  	_ =	shalt  }
0x48: {  	_ =	shalt  }
0x49: {  	_ =	shalt  }
0x4a: {  	_ =	shalt  }
0x4b: {  	_ =	shalt  }
0x4c: {  	_ =	shalt  }
0x4d: {  	_ =	shalt  }
0x4e: {  	_ =	shalt  }
0x4f: {  	_ =	shalt  }
0x50: {  	_ =	shalt  }
0x51: {  	_ =	shalt  }
0x52: {  	_ =	shalt  }
0x53: {  	_ =	shalt  }
0x54: {  	_ =	shalt  }
0x55: {  	_ =	shalt  }
0x56: {  	_ =	shalt  }
0x57: {  	_ =	shalt  }
0x58: {  	_ =	shalt  }
0x59: {  	_ =	shalt  }
0x5a: {  	_ =	shalt  }
0x5b: {  	_ =	shalt  }
0x5c: {  	_ =	shalt  }
0x5d: {  	_ =	shalt  }
0x5e: {  	_ =	shalt  }
0x5f: {  	_ =	shalt  }
0x60: {  	_ =	shalt  }
0x61: {  	_ =	shalt  }
0x62: {  	_ =	shalt  }
0x63: {  	_ =	shalt  }
0x64: {  	_ =	shalt  }
0x65: {  	_ =	shalt  }
0x66: {  	_ =	shalt  }
0x67: {  	_ =	shalt  }
0x68: {  	_ =	shalt  }
0x69: {  	_ =	shalt  }
0x6a: {  	_ =	shalt  }
0x6b: {  	_ =	shalt  }
0x6c: {  	_ =	shalt  }
0x6d: {  	_ =	shalt  }
0x6e: {  	_ =	shalt  }
0x6f: {  	_ =	shalt  }
0x70: {  	_ =	shalt  }
0x71: {  	_ =	shalt  }
0x72: {  	_ =	shalt  }
0x73: {  	_ =	shalt  }
0x74: {  	_ =	shalt  }
0x75: {  	_ =	shalt  }
0x76: {  	_ =	shalt  }
0x77: {  	_ =	shalt  }
0x78: {  	_ =	shalt  }
0x79: {  	_ =	shalt  }
0x7a: {  	_ =	shalt  }
0x7b: {  	_ =	shalt  }
0x7c: {  	_ =	shalt  }
0x7d: {  	_ =	shalt  }
0x7e: {  	_ =	shalt  }
0x7f: {  	_ =	shalt  }
0x80: {  	_ =	shalt  }
0x81: {  	_ =	shalt  }
0x82: {  	_ =	shalt  }
0x83: {  	_ =	shalt  }
0x84: {  	_ =	shalt  }
0x85: {  	_ =	shalt  }
0x86: {  	_ =	shalt  }
0x87: {  	_ =	shalt  }
.Lfunc_end0:
.L_simem_size_0:
called_computation_lowered:
.L_overlay_start_0:
0x88: {  	s2 =	sld [smem:$0x3FD9]  }
0x89: {  	s3 =	sld [smem:$0x3FFE];
	_ =	sdelay $0x1  }
0x8a: {  	s1 =	srdreg.scid  }
0x8b: {  	s0 =	sand.u32 $0x1, s1  }
0x8c: {  	s17 =	sshll.u32 s0, $0xA;
	s2 =	sadd.s32 s3, s2  }
0x8d: {  	s2 =	sadd.s32 s2, s17  }
0x8e: {  	[smem:$0x3FBF] =	sst s2  }
0x8f: {  	_ = 	snop  }
0x90: {  	s2 =	sld [smem:$0x3FC6]  }
0x91: {  	s18 =	sld [smem:$0x3FD0];
	(tm) =	ssettm $0x1  }
0x92: {  	s4 =	sld [smem:$0x3FFB];
	_ =	sdelay $0x3  }
0x93: {  	_ =	strace s4  }
0x94: {  	s4 =	sld [smem:$0x3FFC];
	_ =	sdelay $0x3  }
0x95: {  	_ =	strace s4  }
0x96: {  	s4 =	sld [smem:$0x3FFD];
	_ =	sdelay $0x3  }
0x97: {  	_ =	strace s4  }
0x98: {  	_ =	strace $0x8FFFFFFF  }
0x99: {  	s19 =	sld [smem:$0x3FDB];
	_ =	sdelay $0x1  }
0x9a: {  	s5 =	simm.s32 $_scs_section_size  }
0x9b: {  	s6 =	simm.s32 $_size__tile_overlayer_lowered;
	s7 =	simm.s32 $_tile_overlayer_lowered  }
0x9c: {  	s22 =	simm.s32 $0x1BFF;
	s21 =	sshll.u32 s7, $0x1;
	s4 =	sadd.s32 s5, s19  }
0x9d: {  	s8 =	simm.s32 $0x0;
	s20 =	sshll.u32 s6, $0x1;
	s6 =	sadd.s32 s21, s4  }
0x9e: {  	[timem:s8], [sflag:s22] =	dma.local [hbm:s6], s20  }
0x9f: {  	_ =	swait.ge [sflag:s22], s20  }
0xa0: {  	s5 =	ssub.s32 $0x0, s20;
	[sflag:s22] =	ssyncset.done $0x0  }
0xa1: {  	[sflag:s22] =	ssyncadd.s32 s5;
	_ =	sdelay $0x1  }
0xa2: {  	s23 =	simm.s32 $0x1B8B  }
0xa3: {  	_ =	swait.ge [sflag:s23], $0x1  }
0xa4: {  	[sflag:s23] =	ssyncset.done $0x0  }
0xa5: {  	s25 =	simm.s32 $0x1B8E;
	s24 =	sld [smem:$0x3FFE];
	[sflag:s23] =	ssyncadd.s32 $0xFFFFFFFF  }
0xa6: {  	s26 =	simm.s32 $execute0_lowered;
	[smem:$0x3FD2] =	sst s25  }
0xa7: {  	s6 =	sshll.u32 s26, $0x1;
	_ =	strace $0x80000046;
	[dreg:$0x1] =	wrdreg $0xFFFFFFFF  }
0xa8: {  	s28 =	simm.s32 $_size_execute0_lowered;
	s4 =	sadd.s32 s4, s6;
	[dreg:$0x0] =	wrdreg $0x0  }
0xa9: {  	s6 =	sshll.u32 s28, $0x1;
	[dreg:$0x2] =	wrdreg s4  }
0xaa: {  	[dreg:$0x3] =	wrdreg s6  }
0xab: {  	[dreg:$0x4] =	wrdreg $0xC0  }
0xac: {  	_ =	task [dreg:s8], $0x5FFFF  }
0xad: {  	[dreg:$0x1] =	wrdreg $0xFFFFFFFF  }
0xae: {  	[dreg:$0x0] =	wrdreg $0x60  }
0xaf: {  	[dreg:$0x2] =	wrdreg s2  }
0xb0: {  	[dreg:$0x3] =	wrdreg s18  }
0xb1: {  	[dreg:$0x4] =	wrdreg s24  }
0xb2: {  	[dreg:$0x5] =	wrdreg $0x9  }
0xb3: {  	_ =	task.clear_ibuf [dreg:s8], $0x6FFFF;
	_ =	strace $0x90000046  }
0xb4: {  	s29 =	simm.s32 $0x9;
	_ =	strace $0x80000048  }
0xb5: {  	_ =	swait.ge [sflag:s29], $0x1  }
0xb6: {  	[sflag:s29] =	ssyncadd.s32 $0xFFFFFFFF  }
0xb7: {  	_ =	strace $0x90000048  }
0xb8: {  	_ =	sfence  }
0xb9: {  	s30 =	sld [smem:$0x0];
	_ =	sdelay $0x2  }
0xba: {  	s31 =	sshll.u32 s1, $0xD;
	s1 =	sshrl.u32 s1, $0x2  }
0xbb: {  	s3 =	sand.u32 $0x4000, s31;
	s1 =	sadd.s32 s1, s30  }
0xbc: {  	s0 =	sor.u32 s3, s0;
	s1 =	sshll.u32 s1, $0x11  }
0xbd: {  	s0 =	sor.u32 s1, s0  }
0xbe: {  	s0 =	sadd.s32 $0x8F2B, s0  }
0xbf: {  	[sflag:s0] =	ssyncadd.remote.s32 $0x1  }
0xc0: {  	_ =	sfence.sel $0xFFFF  }
0xc1: {  	[dreg:$0x0] =	wrdreg $0xFFFFFFFF;
	(pc) =	sbr.abs _section_cstart, $3  }
0xc2: {  	[dreg:$0x1] =	wrdreg $0xFFFFFFFF  }
0xc3: {  	_ =	task.clear_ibuf [dreg:s8], $0x2FFFF;
	_ =	strace $0x9FFFFFFF  }
0xc4: {  	(tm) =	ssettm $0x7FFFFFFF  }
0xc5: {  	_ =	shalt  }
tec
execute0_lowered:
.L_overlay_start_1:
0x0: {  	(tag) =	ssettag $0x1  }
0x1: {  	s1 =	rddreg [dreg:$0x0];
	s2 =	srdreg.scid  }
0x2: {  	s4 =	rddreg [dreg:$0x1];
	s0 =	stileid.u32  }
0x3: {  	s8 =	rddreg [dreg:$0x2];
	s3 =	simm.s32 $0x0;
	s6 =	sand.u32 $0x1, s2  }
0x4: {  	s5 =	sshll.u32 s0, $0xA;
	s2 =	rddreg [dreg:$0x3];
	s7 =	sshll.u32 s6, $0x9  }
0x5: {  	[smem:$0x7FF] =	sst s3;
	s9 =	sor.u32 s7, s5  }
0x6: {  	_ =	strace $0x80000047;
	s10 =	ssub.s32 $0x2, s6;
	s5 =	sshrl.u32 s9, $0x3  }
0x7: {  	s6 =	simm.s32 $0x200;
	s5 =	sadd.s32 s4, s5;
	s4 =	simm.s32 $0x2  }
0x8: {  	[tilespmem:s3], [sflag:$0x2] =	stream.linear.gather [hbm4b:s5+s3], $0x200, $0x38;
	[tilespmem:$0x10200] =	vst v63  }
0x9: {  	s7 =	simm.s32 $0x1;
	s11 =	sshrl.u32 s10, $0x1;
	_ =	swait.ge [sflag:s4], $0x200  }
0xa: {  	s9 =	sshll.u32 s9, $0x4;
	s31 =	ssub.s32 s10, s11;
	[sflag:s4] =	ssyncset.done $0x0  }
0xb: {  	s8 =	sadd.s32 s9, s8;
	s9 =	smax.u32 s31, $0x1;
	[sflag:s4] =	ssyncadd.s32 $0xFFFFFE00  }
0xc: {  	[tilespmem:s6], [sflag:$0x1] =	stream.indirect.gather [hbm4b:s1+s6], $0x80, s3, s6, $0xb8;
	[tilespmem:$0x10200] =	vst v63  }
0xd: {  	p0 =	sne.s32 s9, $0x1;
	_ =	swait.ge [sflag:s7], $0x10000  }
.Ltmp0:
0xe: {  	[sflag:s7] =	ssyncset.done $0x0;
	(pc) =	sbr.rel @!p0 .LBB2_2-.Ltmp0, $4  }
0xf: {  	s8 =	sadd.s32 $0x1800, s8;
	[sflag:s7] =	ssyncadd.s32 $0xFFFF0000  }
0x10: {  	[hbm4b:s8+s3] =	stream.linear.scatter [tilespmem:s6], [sflag:$0x2], $0x10000, $0x38;
	[tilespmem:$0x10200] =	vst v63  }
0x11: {  	_ =	swait.ge [sflag:s4], $0x10000  }
0x12: {  	s9 =	sadd.s32 $0xFFFFFFFF, s9;
	[sflag:s4] =	ssyncset.done $0x0  }
.LBB2_1:
0x13: {  	p0 =	sne.s32 s9, $0x1;
	s9 =	sadd.s32 $0xFFFFFFFF, s9;
	[sflag:s4] =	ssyncadd.s32 $0xFFFF0000  }
0x14: {  	[tilespmem:s3], [sflag:$0x2] =	stream.linear.gather [hbm4b:s5+s3], $0x200, $0x38;
	[tilespmem:$0x10200] =	vst v63  }
0x15: {  	_ =	swait.ge [sflag:s4], $0x200  }
0x16: {  	[sflag:s4] =	ssyncset.done $0x0  }
0x17: {  	[sflag:s4] =	ssyncadd.s32 $0xFFFFFE00  }
0x18: {  	[tilespmem:s6], [sflag:$0x1] =	stream.indirect.gather [hbm4b:s1+s6], $0x80, s3, s6, $0xb8;
	[tilespmem:$0x10200] =	vst v63  }
0x19: {  	_ =	swait.ge [sflag:s7], $0x10000  }
.Ltmp1:
0x1a: {  	[sflag:s7] =	ssyncset.done $0x0;
	(pc) =	sbr.rel @p0 .LBB2_1-.Ltmp1, $4  }
0x1b: {  	[sflag:s7] =	ssyncadd.s32 $0xFFFF0000  }
0x1c: {  	[hbm4b:s8+s3] =	stream.linear.scatter [tilespmem:s6], [sflag:$0x2], $0x10000, $0x38;
	[tilespmem:$0x10200] =	vst v63  }
0x1d: {  	_ =	swait.ge [sflag:s4], $0x10000  }
0x1e: {  	[sflag:s4] =	ssyncset.done $0x0  }
.LBB2_2:
0x1f: {  	[sflag:s4] =	ssyncadd.s32 $0xFFFF0000  }
0x20: {  	_ =	sfence.sel $0x180000  }
0x21: {  	[bflag:$0x0] =	sbarrier.arrive $0xFFFF  }
0x22: {  	p0 =	sne.s32 s0, $0x0;
	_ =	strace $0x90000047  }
0x23: {  	s0 =	sadd.s32 @!p0 $0x100000, s2;
	[bflag:$0x2] =	sbarrier.arrive $0xFFFF  }
0x24: {  	[sflag:s0] =	ssyncadd.tile.s32 @!p0 $0x1;
	_ =	shalt  }
.Lfunc_end2:
_tile_overlayer_lowered:
.L_overlay_start_2:
0x25: {  	(tag) =	ssettag $0x2  }
0x26: {  	s0 =	rddreg [dreg:$0x0];
	s2 =	stileid.u32  }
0x27: {  	s1 =	rddreg [dreg:$0x1];
	p0 =	sne.s32 s2, $0x0  }
0x28: {  	s3 =	rddreg [dreg:$0x2];
	[bflag:$0x3] =	sbarrier.arrive $0xFFFF;
	s2 =	simm.s32 @!p0 $0x1C02  }
0x29: {  	[timem:s3], [sflag:s2] =	dma.local @!p0 [hbm:s0], s1  }
0x2a: {  	s0 =	simm.s32 @!p0 $0x2  }
0x2b: {  	_ =	swait.ge @!p0 [sflag:s0], s1  }
0x2c: {  	s1 =	ssub.s32 @!p0 $0x0, s1;
	[sflag:s0] =	ssyncset.done @!p0 $0x0  }
0x2d: {  	[sflag:s0] =	ssyncadd.s32 @!p0 s1  }
0x2e: {  	[bflag:$0x3] =	sbarrier.arrive $0xFFFF  }
0x2f: {  	_ =	shalt  }

</sc_bundles>
